<compile_context>
chip_gen: v7x
topology: tpu7x:2x2x1
jax: 0.10.2.dev20260603
libtpu: 0.0.44.dev20260713+nightly
codegen_flags: <defaults>
</compile_context>

<pallas_src>
import functools

import jax
import jax.numpy as jnp
from jax import lax
from jax.experimental import pallas as pl
from jax.experimental.pallas import tpu as pltpu
from jax.experimental.pallas import tpu_sc as plsc

N = 10000
E = 320000
D = 128
NC = 2
NS = 16
NW = NC * NS
EPW = E // NW
C = 80
IB = 10
RB = 400
RPS = 624


def _proj_body(x_ref, w_ref, asrc_ref, adst_ref, h_ref, sa_ref, sd_ref):
    x = x_ref[...]
    h = jnp.dot(x, w_ref[...], preferred_element_type=jnp.float32)
    h_ref[...] = h
    sa_ref[...] = jnp.dot(h, asrc_ref[...], preferred_element_type=jnp.float32)
    sd_ref[...] = jnp.dot(h, adst_ref[...], preferred_element_type=jnp.float32)


def _project(x, w, asrc, adst):
    return pl.pallas_call(
        _proj_body,
        grid=(N // RB,),
        in_specs=[
            pl.BlockSpec((RB, D), lambda i: (i, 0)),
            pl.BlockSpec((D, D), lambda i: (0, 0)),
            pl.BlockSpec((D, 1), lambda i: (0, 0)),
            pl.BlockSpec((D, 1), lambda i: (0, 0)),
        ],
        out_specs=[
            pl.BlockSpec((RB, D), lambda i: (i, 0)),
            pl.BlockSpec((RB, 1), lambda i: (i, 0)),
            pl.BlockSpec((RB, 1), lambda i: (i, 0)),
        ],
        out_shape=[
            jax.ShapeDtypeStruct((N, D), jnp.float32),
            jax.ShapeDtypeStruct((N, 1), jnp.float32),
            jax.ShapeDtypeStruct((N, 1), jnp.float32),
        ],
    )(x, w, asrc, adst)


def _sc_body(h_hbm, eidx_hbm, sa_hbm, sd_hbm, num_hbm, den_hbm,
             as_v, ad_v, sidi0_v, sidi1_v, ex_v, rows0_v, rows1_v,
             den_v, acc, sem0, sem1):
    cid = lax.axis_index("c")
    sid = lax.axis_index("s")
    wid = sid * NC + cid

    pltpu.async_copy(sa_hbm, as_v, sem0)
    pltpu.async_copy(sd_hbm, ad_v, sem1)

    @plsc.parallel_loop(0, N // 16, step=1, unroll=8)
    def _(i):
        den_v[pl.ds(i * 16, 16)] = jnp.zeros((16,), jnp.float32)

    @plsc.parallel_loop(0, C, step=1, unroll=8)
    def _(r):
        for cb in range(D // 16):
            rows0_v[r, pl.ds(cb * 16, 16)] = jnp.zeros((16,), jnp.float32)

    pltpu.make_async_copy(sa_hbm, as_v, sem0).wait()
    pltpu.make_async_copy(sd_hbm, ad_v, sem1).wait()

    @pl.loop(0, RPS // C)
    def _(j):
        pltpu.sync_copy(rows0_v, acc.at[pl.ds(sid * RPS + j * C, C)])

    pltpu.sync_copy(rows0_v.at[pl.ds(0, RPS - (RPS // C) * C)],
                    acc.at[pl.ds(sid * RPS + (RPS // C) * C,
                                 RPS - (RPS // C) * C)])

    @pl.when(sid == NS - 1)
    def _():
        pltpu.sync_copy(rows0_v.at[pl.ds(0, N - NS * RPS)],
                        acc.at[pl.ds(NS * RPS, N - NS * RPS)])

    def _mbody(i, m):
        return jnp.maximum(m, as_v[pl.ds(i * 16, 16)])

    mvec = lax.fori_loop(0, N // 16, _mbody,
                         jnp.full((16,), -3e38, jnp.float32))
    amax = jnp.max(mvec)

    plsc.subcore_barrier()

    NCHUNK = EPW // C
    ibase = wid * NCHUNK

    def fetch(t, sidi, rows, sem):
        pltpu.sync_copy(eidx_hbm.at[ibase + t], sidi)
        pltpu.async_copy(h_hbm.at[sidi.at[0]], rows, sem)

    def process(sidi, rows, sem):
        for g in range(C // 16):
            sidx = sidi[0, pl.ds(g * 16, 16)]
            didx = sidi[1, pl.ds(g * 16, 16)]
            sv = plsc.load_gather(as_v, [sidx])
            dv = plsc.load_gather(ad_v, [didx])
            v = sv + dv
            e = jnp.maximum(v, 0.2 * v)
            w = amax + dv
            cmax = jnp.maximum(w, 0.2 * w)
            ex = jnp.exp(e - cmax)
            ex_v[pl.ds(g * 16, 16)] = ex
            plsc.addupdate_scatter(den_v, [didx], ex)

        pltpu.make_async_copy(h_hbm.at[sidi.at[0]], rows, sem).wait()

        @plsc.parallel_loop(0, C, step=1, unroll=8)
        def _(r):
            exb = plsc.load_gather(ex_v, [jnp.full((16,), r, jnp.int32)])
            for cb in range(D // 16):
                rows[r, pl.ds(cb * 16, 16)] = (
                    rows[r, pl.ds(cb * 16, 16)] * exb)

        pltpu.sync_copy(rows, acc.at[sidi.at[1]], add=True)

    fetch(0, sidi0_v, rows0_v, sem0)

    @pl.loop(0, (NCHUNK + 1) // 2)
    def _(p):
        t0 = 2 * p

        @pl.when(t0 + 1 <= NCHUNK - 1)
        def _():
            fetch(t0 + 1, sidi1_v, rows1_v, sem1)

        process(sidi0_v, rows0_v, sem0)

        @pl.when(t0 + 2 <= NCHUNK - 1)
        def _():
            fetch(t0 + 2, sidi0_v, rows0_v, sem0)

        @pl.when(t0 + 1 <= NCHUNK - 1)
        def _():
            process(sidi1_v, rows1_v, sem1)

    plsc.subcore_barrier()

    pltpu.async_copy(acc.at[pl.ds(sid * RPS, RPS)],
                     num_hbm.at[cid, pl.ds(sid * RPS, RPS)], sem0)
    pltpu.async_copy(den_v, den_hbm.at[cid, sid], sem1)

    @pl.when(sid == NS - 1)
    def _():
        pltpu.sync_copy(acc.at[pl.ds(NS * RPS, N - NS * RPS)],
                        num_hbm.at[cid, pl.ds(NS * RPS, N - NS * RPS)])

    pltpu.make_async_copy(acc.at[pl.ds(sid * RPS, RPS)],
                          num_hbm.at[cid, pl.ds(sid * RPS, RPS)], sem0).wait()
    pltpu.make_async_copy(den_v, den_hbm.at[cid, sid], sem1).wait()


def _sc_edge(h, eidx, sa, sd):
    mesh = plsc.VectorSubcoreMesh(core_axis_name="c", subcore_axis_name="s")
    k = functools.partial(
        pl.kernel,
        out_type=[
            jax.ShapeDtypeStruct((NC, N, D), jnp.float32),
            jax.ShapeDtypeStruct((NC, NS, N), jnp.float32),
        ],
        mesh=mesh,
        compiler_params=pltpu.CompilerParams(needs_layout_passes=False,
                                             use_tc_tiling_on_sc=False),
        scratch_types=[
            pltpu.VMEM((N,), jnp.float32),
            pltpu.VMEM((N,), jnp.float32),
            pltpu.VMEM((2, C), jnp.int32),
            pltpu.VMEM((2, C), jnp.int32),
            pltpu.VMEM((C,), jnp.float32),
            pltpu.VMEM((C, D), jnp.float32),
            pltpu.VMEM((C, D), jnp.float32),
            pltpu.VMEM((N,), jnp.float32),
            pltpu.VMEM_SHARED((N, D), jnp.float32),
            pltpu.SemaphoreType.DMA,
            pltpu.SemaphoreType.DMA,
        ],
    )(_sc_body)
    return k(h, eidx, sa, sd)


def _combine_body(p_ref, dens_ref, bias_ref, out_ref):
    num = p_ref[0] + p_ref[1]
    den = jnp.sum(dens_ref[...], axis=(0, 1))
    out_ref[...] = num / (den[:, None] + 1e-16) + bias_ref[...]


def _combine(parts, dens, bias2d):
    return pl.pallas_call(
        _combine_body,
        out_shape=jax.ShapeDtypeStruct((N, D), jnp.float32),
    )(parts, dens, bias2d)


def kernel(x, edge_index, W, a_src, a_dst, bias):
    eidx = jnp.transpose(edge_index.reshape(2, E // C, C), (1, 0, 2))
    h, sa, sd = _project(x, W, a_src.reshape(D, 1), a_dst.reshape(D, 1))
    parts, dens = _sc_edge(h, eidx, sa.reshape(N), sd.reshape(N))
    return _combine(parts, dens, bias.reshape(1, D))

# --- scband reference (transcript-rebuilt; emitter-appended) ---
"""Pipeline reference for scband-gat-36773509988956 (READ-ONLY COPY).

The authoritative reference and input builder live on the scoring server;
editing this copy changes nothing except your own understanding.
"""

import jax, jax.numpy as jnp
import numpy as np

N_NODES = 10000
N_EDGES = 320000
D_IN = 128
D_OUT = 128


def setup_inputs(seed: int = 0) -> dict:
    key = jax.random.key(seed)
    k1, k2, k3, k4, k5, k6 = jax.random.split(key, 6)
    x = jax.random.normal(k1, (N_NODES, D_IN), dtype=jnp.float32)
    edge_index = jax.random.randint(k2, (2, N_EDGES), 0, N_NODES, dtype=jnp.int32)
    # GATConv(128, 128, heads=1) learned parameters
    W = jax.random.normal(k3, (D_IN, D_OUT), dtype=jnp.float32) / np.sqrt(D_IN)
    a_src = jax.random.normal(k4, (D_OUT,), dtype=jnp.float32) / np.sqrt(D_OUT)
    a_dst = jax.random.normal(k5, (D_OUT,), dtype=jnp.float32) / np.sqrt(D_OUT)
    bias = jnp.zeros((D_OUT,), dtype=jnp.float32)
    return {"x": x, "edge_index": edge_index, "W": W, "a_src": a_src, "a_dst": a_dst, "bias": bias}


def reference(x, edge_index, W, a_src, a_dst, bias):
    # Faithful single-layer GAT (PyG GATConv semantics, heads=1):
    #   h = x @ W
    #   e_ij = LeakyReLU(a_src . h_i + a_dst . h_j) for edge (i -> j)
    #   alpha_ij = softmax over incoming edges of node j
    #   out_j = sum_i alpha_ij * h_i + bias
    src = edge_index[0]
    dst = edge_index[1]
    h = x @ W                                   # [N, D_OUT]
    alpha_s = h @ a_src                         # [N]
    alpha_d = h @ a_dst                         # [N]
    e = jax.nn.leaky_relu(alpha_s[src] + alpha_d[dst], negative_slope=0.2)  # [E]
    # numerically-stable softmax over edges grouped by dst
    e_max = jax.ops.segment_max(e, dst, num_segments=N_NODES)
    e_max = jnp.where(jnp.isfinite(e_max), e_max, 0.0)
    ex = jnp.exp(e - jax.lax.stop_gradient(e_max)[dst])
    denom = jax.ops.segment_sum(ex, dst, num_segments=N_NODES)
    alpha = ex / (denom[dst] + 1e-16)           # [E]
    msg = h[src] * alpha[:, None]               # [E, D_OUT]  (gather + weight)
    out = jax.ops.segment_sum(msg, dst, num_segments=N_NODES)  # scatter-add
    out = out + bias
    return out

if __name__ == "__main__":
    import jax
    _d = setup_inputs()
    print(jax.jit(kernel)(*tuple(_d.values())))

</pallas_src>

<mosaic_0001>
#map = affine_map<(d0, d1) -> (0, 0)>
#map1 = affine_map<(d0, d1) -> (0, 0, 0)>
#map2 = affine_map<(d0, d1) -> (0)>
module attributes {stable_mosaic.version = 14 : i64} {
  func.func @_sc_body(%arg0: i32, %arg1: i32, %arg2: memref<10000x128xf32, #tpu.memory_space<hbm>>, %arg3: memref<4000x2x80xi32, #tpu.memory_space<hbm>>, %arg4: memref<10000xf32, #tpu.memory_space<hbm>>, %arg5: memref<10000xf32, #tpu.memory_space<hbm>>, %arg6: memref<2x10000x128xf32, #tpu.memory_space<hbm>>, %arg7: memref<2x16x10000xf32, #tpu.memory_space<hbm>>, %arg8: memref<10000xf32, #tpu.memory_space<vmem>>, %arg9: memref<10000xf32, #tpu.memory_space<vmem>>, %arg10: memref<2x80xi32, #tpu.memory_space<vmem>>, %arg11: memref<2x80xi32, #tpu.memory_space<vmem>>, %arg12: memref<80xf32, #tpu.memory_space<vmem>>, %arg13: memref<80x128xf32, #tpu.memory_space<vmem>>, %arg14: memref<80x128xf32, #tpu.memory_space<vmem>>, %arg15: memref<10000xf32, #tpu.memory_space<vmem>>, %arg16: memref<10000x128xf32, #tpu.memory_space<vmem_shared>>, %arg17: memref<!tpu.dma_semaphore, #tpu.memory_space<semaphore_mem>>, %arg18: memref<!tpu.dma_semaphore, #tpu.memory_space<semaphore_mem>>) attributes {dimension_semantics = [#tpu.dimension_semantics<core_parallel>, #tpu.dimension_semantics<subcore_parallel>], iteration_bounds = array<i64: 2, 16>, scalar_prefetch = 0 : i64, scratch_operands = 11 : i64, tpu.core_type = #tpu.core_type<sc_vector_subcore>, window_params = [{transform_indices = #map}, {transform_indices = #map1}, {transform_indices = #map2}, {transform_indices = #map2}, {transform_indices = #map1}, {transform_indices = #map1}]} {
    %mul3A = arith.constant 2 : i32
    %mul3A_0 = arith.muli %arg1, %mul3A : i32
    %add3A = arith.addi %mul3A_0, %arg0 : i32
    tpu.enqueue_dma source(%arg4 : memref<10000xf32, #tpu.memory_space<hbm>>) target(%arg8 : memref<10000xf32, #tpu.memory_space<vmem>>) target_semaphore(%arg17 : memref<!tpu.dma_semaphore, #tpu.memory_space<semaphore_mem>>)
    tpu.enqueue_dma source(%arg5 : memref<10000xf32, #tpu.memory_space<hbm>>) target(%arg9 : memref<10000xf32, #tpu.memory_space<vmem>>) target_semaphore(%arg18 : memref<!tpu.dma_semaphore, #tpu.memory_space<semaphore_mem>>)
    %parallel_loop3A = arith.constant 0 : i32
    %parallel_loop3A_1 = arith.constant 625 : i32
    %parallel_loop3A_2 = arith.constant 1 : i32
    scf.for %parallel_loop3A_76 = %parallel_loop3A to %parallel_loop3A_1 step %parallel_loop3A_2  : i32 {
      %parallel_loop3A_77 = arith.constant 0.000000e+00 : f32
      %parallel_loop3A_78 = vector.broadcast %parallel_loop3A_77 : f32 to vector<16xf32>
      %parallel_loop3A_79 = arith.constant 16 : i32
      %parallel_loop3A_80 = arith.muli %parallel_loop3A_76, %parallel_loop3A_79 : i32
      %parallel_loop3A_81 = arith.index_cast %parallel_loop3A_80 : i32 to index
      %parallel_loop3A_82 = tpu.vector_load %arg15[%parallel_loop3A_81] {strides = array<i32>} : memref<10000xf32, #tpu.memory_space<vmem>>, vector<16xf32>,
      tpu.vector_store %arg15[%parallel_loop3A_81], %parallel_loop3A_78 {strides = array<i32>} : memref<10000xf32, #tpu.memory_space<vmem>>, vector<16xf32>,
    } {sc.loop_unroll_factor = 8 : i64, sc.parallel_access}
    %parallel_loop3A_3 = arith.constant 0 : i32
    %parallel_loop3A_4 = arith.constant 80 : i32
    %parallel_loop3A_5 = arith.constant 1 : i32
    scf.for %parallel_loop3A_76 = %parallel_loop3A_3 to %parallel_loop3A_4 step %parallel_loop3A_5  : i32 {
      %parallel_loop3A_77 = arith.constant 0.000000e+00 : f32
      %parallel_loop3A_78 = vector.broadcast %parallel_loop3A_77 : f32 to vector<16xf32>
      %parallel_loop3A_79 = arith.index_cast %parallel_loop3A_76 : i32 to index
      %parallel_loop3A_80 = arith.constant 0 : index
      %parallel_loop3A_81 = tpu.vector_load %arg13[%parallel_loop3A_79, %parallel_loop3A_80] {strides = array<i32>} : memref<80x128xf32, #tpu.memory_space<vmem>>, vector<16xf32>,
      tpu.vector_store %arg13[%parallel_loop3A_79, %parallel_loop3A_80], %parallel_loop3A_78 {strides = array<i32>} : memref<80x128xf32, #tpu.memory_space<vmem>>, vector<16xf32>,
      %parallel_loop3A_82 = arith.constant 0.000000e+00 : f32
      %parallel_loop3A_83 = vector.broadcast %parallel_loop3A_82 : f32 to vector<16xf32>
      %parallel_loop3A_84 = arith.index_cast %parallel_loop3A_76 : i32 to index
      %parallel_loop3A_85 = arith.constant 16 : index
      %parallel_loop3A_86 = tpu.vector_load %arg13[%parallel_loop3A_84, %parallel_loop3A_85] {strides = array<i32>} : memref<80x128xf32, #tpu.memory_space<vmem>>, vector<16xf32>,
      tpu.vector_store %arg13[%parallel_loop3A_84, %parallel_loop3A_85], %parallel_loop3A_83 {strides = array<i32>} : memref<80x128xf32, #tpu.memory_space<vmem>>, vector<16xf32>,
      %parallel_loop3A_87 = arith.constant 0.000000e+00 : f32
      %parallel_loop3A_88 = vector.broadcast %parallel_loop3A_87 : f32 to vector<16xf32>
      %parallel_loop3A_89 = arith.index_cast %parallel_loop3A_76 : i32 to index
      %parallel_loop3A_90 = arith.constant 32 : index
      %parallel_loop3A_91 = tpu.vector_load %arg13[%parallel_loop3A_89, %parallel_loop3A_90] {strides = array<i32>} : memref<80x128xf32, #tpu.memory_space<vmem>>, vector<16xf32>,
      tpu.vector_store %arg13[%parallel_loop3A_89, %parallel_loop3A_90], %parallel_loop3A_88 {strides = array<i32>} : memref<80x128xf32, #tpu.memory_space<vmem>>, vector<16xf32>,
      %parallel_loop3A_92 = arith.constant 0.000000e+00 : f32
      %parallel_loop3A_93 = vector.broadcast %parallel_loop3A_92 : f32 to vector<16xf32>
      %parallel_loop3A_94 = arith.index_cast %parallel_loop3A_76 : i32 to index
      %parallel_loop3A_95 = arith.constant 48 : index
      %parallel_loop3A_96 = tpu.vector_load %arg13[%parallel_loop3A_94, %parallel_loop3A_95] {strides = array<i32>} : memref<80x128xf32, #tpu.memory_space<vmem>>, vector<16xf32>,
      tpu.vector_store %arg13[%parallel_loop3A_94, %parallel_loop3A_95], %parallel_loop3A_93 {strides = array<i32>} : memref<80x128xf32, #tpu.memory_space<vmem>>, vector<16xf32>,
      %parallel_loop3A_97 = arith.constant 0.000000e+00 : f32
      %parallel_loop3A_98 = vector.broadcast %parallel_loop3A_97 : f32 to vector<16xf32>
      %parallel_loop3A_99 = arith.index_cast %parallel_loop3A_76 : i32 to index
      %parallel_loop3A_100 = arith.constant 64 : index
      %parallel_loop3A_101 = tpu.vector_load %arg13[%parallel_loop3A_99, %parallel_loop3A_100] {strides = array<i32>} : memref<80x128xf32, #tpu.memory_space<vmem>>, vector<16xf32>,
      tpu.vector_store %arg13[%parallel_loop3A_99, %parallel_loop3A_100], %parallel_loop3A_98 {strides = array<i32>} : memref<80x128xf32, #tpu.memory_space<vmem>>, vector<16xf32>,
      %parallel_loop3A_102 = arith.constant 0.000000e+00 : f32
      %parallel_loop3A_103 = vector.broadcast %parallel_loop3A_102 : f32 to vector<16xf32>
      %parallel_loop3A_104 = arith.index_cast %parallel_loop3A_76 : i32 to index
      %parallel_loop3A_105 = arith.constant 80 : index
      %parallel_loop3A_106 = tpu.vector_load %arg13[%parallel_loop3A_104, %parallel_loop3A_105] {strides = array<i32>} : memref<80x128xf32, #tpu.memory_space<vmem>>, vector<16xf32>,
      tpu.vector_store %arg13[%parallel_loop3A_104, %parallel_loop3A_105], %parallel_loop3A_103 {strides = array<i32>} : memref<80x128xf32, #tpu.memory_space<vmem>>, vector<16xf32>,
      %parallel_loop3A_107 = arith.constant 0.000000e+00 : f32
      %parallel_loop3A_108 = vector.broadcast %parallel_loop3A_107 : f32 to vector<16xf32>
      %parallel_loop3A_109 = arith.index_cast %parallel_loop3A_76 : i32 to index
      %parallel_loop3A_110 = arith.constant 96 : index
      %parallel_loop3A_111 = tpu.vector_load %arg13[%parallel_loop3A_109, %parallel_loop3A_110] {strides = array<i32>} : memref<80x128xf32, #tpu.memory_space<vmem>>, vector<16xf32>,
      tpu.vector_store %arg13[%parallel_loop3A_109, %parallel_loop3A_110], %parallel_loop3A_108 {strides = array<i32>} : memref<80x128xf32, #tpu.memory_space<vmem>>, vector<16xf32>,
      %parallel_loop3A_112 = arith.constant 0.000000e+00 : f32
      %parallel_loop3A_113 = vector.broadcast %parallel_loop3A_112 : f32 to vector<16xf32>
      %parallel_loop3A_114 = arith.index_cast %parallel_loop3A_76 : i32 to index
      %parallel_loop3A_115 = arith.constant 112 : index
      %parallel_loop3A_116 = tpu.vector_load %arg13[%parallel_loop3A_114, %parallel_loop3A_115] {strides = array<i32>} : memref<80x128xf32, #tpu.memory_space<vmem>>, vector<16xf32>,
      tpu.vector_store %arg13[%parallel_loop3A_114, %parallel_loop3A_115], %parallel_loop3A_113 {strides = array<i32>} : memref<80x128xf32, #tpu.memory_space<vmem>>, vector<16xf32>,
    } {sc.loop_unroll_factor = 8 : i64, sc.parallel_access}
    tpu.wait_dma2 semaphore(%arg17 : memref<!tpu.dma_semaphore, #tpu.memory_space<semaphore_mem>>) src(%arg4 : memref<10000xf32, #tpu.memory_space<hbm>>) dst(%arg8 : memref<10000xf32, #tpu.memory_space<vmem>>)
    tpu.wait_dma2 semaphore(%arg18 : memref<!tpu.dma_semaphore, #tpu.memory_space<semaphore_mem>>) src(%arg5 : memref<10000xf32, #tpu.memory_space<hbm>>) dst(%arg9 : memref<10000xf32, #tpu.memory_space<vmem>>)
    %scan3A = arith.constant 0 : i32
    %scan3A_6 = arith.constant 7 : i32
    %scan3A_7 = arith.addi %scan3A, %scan3A_6 : i32
    %scan3A_8 = arith.constant 1 : i32
    scf.for %scan3A_76 = %scan3A to %scan3A_7 step %scan3A_8  : i32 {
      %mul3A_77 = arith.constant 1 : i32
      %mul3A_78 = arith.muli %scan3A_76, %mul3A_77 : i32
      %add3A_79 = arith.constant 0 : i32
      %add3A_80 = arith.addi %add3A_79, %mul3A_78 : i32
      %mul3A_81 = arith.constant 624 : i32
      %mul3A_82 = arith.muli %arg1, %mul3A_81 : i32
      %mul3A_83 = arith.constant 80 : i32
      %mul3A_84 = arith.muli %add3A_80, %mul3A_83 : i32
      %add3A_85 = arith.addi %mul3A_82, %mul3A_84 : i32
      "tpu.region"() ({
        %run_scoped3A = tpu.sem_alloc : memref<!tpu.dma_semaphore, #tpu.memory_space<semaphore_mem>>
        %dma_start3A_86 = arith.constant 0 : i32
        %dma_start3A_87 = tpu.memref_slice %arg16[%add3A_85, %dma_start3A_86] : memref<10000x128xf32, #tpu.memory_space<vmem_shared>> -> memref<80x128xf32, #tpu.memory_space<vmem_shared>>
        %dma_start3A_88 = arith.constant 0 : i32
        %dma_start3A_89 = tpu.memref_slice %arg16[%add3A_85, %dma_start3A_88] : memref<10000x128xf32, #tpu.memory_space<vmem_shared>> -> memref<80x128xf32, #tpu.memory_space<vmem_shared>>
        tpu.enqueue_dma source(%arg13 : memref<80x128xf32, #tpu.memory_space<vmem>>) target(%dma_start3A_89 : memref<80x128xf32, #tpu.memory_space<vmem_shared>>) target_semaphore(%run_scoped3A : memref<!tpu.dma_semaphore, #tpu.memory_space<semaphore_mem>>)
        %dma_wait3A_90 = arith.constant 0 : i32
        %dma_wait3A_91 = tpu.memref_slice %arg16[%add3A_85, %dma_wait3A_90] : memref<10000x128xf32, #tpu.memory_space<vmem_shared>> -> memref<80x128xf32, #tpu.memory_space<vmem_shared>>
        %dma_wait3A_92 = arith.constant 0 : i32
        %dma_wait3A_93 = tpu.memref_slice %arg16[%add3A_85, %dma_wait3A_92] : memref<10000x128xf32, #tpu.memory_space<vmem_shared>> -> memref<80x128xf32, #tpu.memory_space<vmem_shared>>
        tpu.wait_dma2 semaphore(%run_scoped3A : memref<!tpu.dma_semaphore, #tpu.memory_space<semaphore_mem>>) src(%arg13 : memref<80x128xf32, #tpu.memory_space<vmem>>) dst(%dma_wait3A_93 : memref<80x128xf32, #tpu.memory_space<vmem_shared>>)
        tpu.yield
      }) : () -> ()
    }
    %scan3A_9 = arith.constant 7 : i32
    %mul3A_10 = arith.constant 624 : i32
    %mul3A_11 = arith.muli %arg1, %mul3A_10 : i32
    %add3A_12 = arith.constant 560 : i32
    %add3A_13 = arith.addi %mul3A_11, %add3A_12 : i32
    "tpu.region"() ({
      %run_scoped3A = tpu.sem_alloc : memref<!tpu.dma_semaphore, #tpu.memory_space<semaphore_mem>>
      %dma_start3A_76 = arith.constant 0 : i32
      %dma_start3A_77 = arith.constant 0 : i32
      %dma_start3A_78 = tpu.memref_slice %arg13[%dma_start3A_76, %dma_start3A_77] : memref<80x128xf32, #tpu.memory_space<vmem>> -> memref<64x128xf32, #tpu.memory_space<vmem>>
      %dma_start3A_79 = arith.constant 0 : i32
      %dma_start3A_80 = tpu.memref_slice %arg16[%add3A_13, %dma_start3A_79] : memref<10000x128xf32, #tpu.memory_space<vmem_shared>> -> memref<64x128xf32, #tpu.memory_space<vmem_shared>>
      %dma_start3A_81 = arith.constant 0 : i32
      %dma_start3A_82 = tpu.memref_slice %arg16[%add3A_13, %dma_start3A_81] : memref<10000x128xf32, #tpu.memory_space<vmem_shared>> -> memref<64x128xf32, #tpu.memory_space<vmem_shared>>
      %dma_start3A_83 = arith.constant 0 : i32
      %dma_start3A_84 = arith.constant 0 : i32
      %dma_start3A_85 = tpu.memref_slice %arg13[%dma_start3A_83, %dma_start3A_84] : memref<80x128xf32, #tpu.memory_space<vmem>> -> memref<64x128xf32, #tpu.memory_space<vmem>>
      tpu.enqueue_dma source(%dma_start3A_85 : memref<64x128xf32, #tpu.memory_space<vmem>>) target(%dma_start3A_82 : memref<64x128xf32, #tpu.memory_space<vmem_shared>>) target_semaphore(%run_scoped3A : memref<!tpu.dma_semaphore, #tpu.memory_space<semaphore_mem>>)
      %dma_wait3A_86 = arith.constant 0 : i32
      %dma_wait3A_87 = arith.constant 0 : i32
      %dma_wait3A_88 = tpu.memref_slice %arg13[%dma_wait3A_86, %dma_wait3A_87] : memref<80x128xf32, #tpu.memory_space<vmem>> -> memref<64x128xf32, #tpu.memory_space<vmem>>
      %dma_wait3A_89 = arith.constant 0 : i32
      %dma_wait3A_90 = tpu.memref_slice %arg16[%add3A_13, %dma_wait3A_89] : memref<10000x128xf32, #tpu.memory_space<vmem_shared>> -> memref<64x128xf32, #tpu.memory_space<vmem_shared>>
      %dma_wait3A_91 = arith.constant 0 : i32
      %dma_wait3A_92 = tpu.memref_slice %arg16[%add3A_13, %dma_wait3A_91] : memref<10000x128xf32, #tpu.memory_space<vmem_shared>> -> memref<64x128xf32, #tpu.memory_space<vmem_shared>>
      %dma_wait3A_93 = arith.constant 0 : i32
      %dma_wait3A_94 = arith.constant 0 : i32
      %dma_wait3A_95 = tpu.memref_slice %arg13[%dma_wait3A_93, %dma_wait3A_94] : memref<80x128xf32, #tpu.memory_space<vmem>> -> memref<64x128xf32, #tpu.memory_space<vmem>>
      tpu.wait_dma2 semaphore(%run_scoped3A : memref<!tpu.dma_semaphore, #tpu.memory_space<semaphore_mem>>) src(%dma_wait3A_95 : memref<64x128xf32, #tpu.memory_space<vmem>>) dst(%dma_wait3A_92 : memref<64x128xf32, #tpu.memory_space<vmem_shared>>)
      tpu.yield
    }) : () -> ()
    %eq3A = arith.constant 15 : i32
    %eq3A_14 = arith.cmpi eq, %arg1, %eq3A : i32
    %convert_element_type3A = arith.extui %eq3A_14 : i1 to i32
    %cond3A = arith.constant 0 : i32
    %cond3A_15 = arith.cmpi ne, %convert_element_type3A, %cond3A : i32
    scf.if %cond3A_15 {
      "tpu.region"() ({
        %run_scoped3A = tpu.sem_alloc : memref<!tpu.dma_semaphore, #tpu.memory_space<semaphore_mem>>
        %dma_start3A_76 = arith.constant 0 : i32
        %dma_start3A_77 = arith.constant 0 : i32
        %dma_start3A_78 = tpu.memref_slice %arg13[%dma_start3A_76, %dma_start3A_77] : memref<80x128xf32, #tpu.memory_space<vmem>> -> memref<16x128xf32, #tpu.memory_space<vmem>>
        %dma_start3A_79 = arith.constant 9984 : i32
        %dma_start3A_80 = arith.constant 0 : i32
        %dma_start3A_81 = tpu.memref_slice %arg16[%dma_start3A_79, %dma_start3A_80] : memref<10000x128xf32, #tpu.memory_space<vmem_shared>> -> memref<16x128xf32, #tpu.memory_space<vmem_shared>>
        %dma_start3A_82 = arith.constant 9984 : i32
        %dma_start3A_83 = arith.constant 0 : i32
        %dma_start3A_84 = tpu.memref_slice %arg16[%dma_start3A_82, %dma_start3A_83] : memref<10000x128xf32, #tpu.memory_space<vmem_shared>> -> memref<16x128xf32, #tpu.memory_space<vmem_shared>>
        %dma_start3A_85 = arith.constant 0 : i32
        %dma_start3A_86 = arith.constant 0 : i32
        %dma_start3A_87 = tpu.memref_slice %arg13[%dma_start3A_85, %dma_start3A_86] : memref<80x128xf32, #tpu.memory_space<vmem>> -> memref<16x128xf32, #tpu.memory_space<vmem>>
        tpu.enqueue_dma source(%dma_start3A_87 : memref<16x128xf32, #tpu.memory_space<vmem>>) target(%dma_start3A_84 : memref<16x128xf32, #tpu.memory_space<vmem_shared>>) target_semaphore(%run_scoped3A : memref<!tpu.dma_semaphore, #tpu.memory_space<semaphore_mem>>)
        %dma_wait3A_88 = arith.constant 0 : i32
        %dma_wait3A_89 = arith.constant 0 : i32
        %dma_wait3A_90 = tpu.memref_slice %arg13[%dma_wait3A_88, %dma_wait3A_89] : memref<80x128xf32, #tpu.memory_space<vmem>> -> memref<16x128xf32, #tpu.memory_space<vmem>>
        %dma_wait3A_91 = arith.constant 9984 : i32
        %dma_wait3A_92 = arith.constant 0 : i32
        %dma_wait3A_93 = tpu.memref_slice %arg16[%dma_wait3A_91, %dma_wait3A_92] : memref<10000x128xf32, #tpu.memory_space<vmem_shared>> -> memref<16x128xf32, #tpu.memory_space<vmem_shared>>
        %dma_wait3A_94 = arith.constant 9984 : i32
        %dma_wait3A_95 = arith.constant 0 : i32
        %dma_wait3A_96 = tpu.memref_slice %arg16[%dma_wait3A_94, %dma_wait3A_95] : memref<10000x128xf32, #tpu.memory_space<vmem_shared>> -> memref<16x128xf32, #tpu.memory_space<vmem_shared>>
        %dma_wait3A_97 = arith.constant 0 : i32
        %dma_wait3A_98 = arith.constant 0 : i32
        %dma_wait3A_99 = tpu.memref_slice %arg13[%dma_wait3A_97, %dma_wait3A_98] : memref<80x128xf32, #tpu.memory_space<vmem>> -> memref<16x128xf32, #tpu.memory_space<vmem>>
        tpu.wait_dma2 semaphore(%run_scoped3A : memref<!tpu.dma_semaphore, #tpu.memory_space<semaphore_mem>>) src(%dma_wait3A_99 : memref<16x128xf32, #tpu.memory_space<vmem>>) dst(%dma_wait3A_96 : memref<16x128xf32, #tpu.memory_space<vmem_shared>>)
        tpu.yield
      }) : () -> ()
    } else {
    }
    %broadcast_in_dim3A = arith.constant -3.000000e+38 : f32
    %broadcast_in_dim3A_16 = vector.broadcast %broadcast_in_dim3A : f32 to vector<16xf32>
    %scan3A_17 = arith.constant 0 : i32
    %scan3A_18 = arith.constant 625 : i32
    %scan3A_19 = arith.addi %scan3A_17, %scan3A_18 : i32
    %scan3A_20 = arith.constant 1 : i32
    %scan3A_21 = scf.for %scan3A_76 = %scan3A_17 to %scan3A_19 step %scan3A_20 iter_args(%scan3A_77 = %broadcast_in_dim3A_16) -> (vector<16xf32>)  : i32 {
      %mul3A_78 = arith.constant 16 : i32
      %mul3A_79 = arith.muli %scan3A_76, %mul3A_78 : i32
      %get3A = arith.index_cast %mul3A_79 : i32 to index
      %get3A_80 = tpu.vector_load %arg8[%get3A] {strides = array<i32>} : memref<10000xf32, #tpu.memory_space<vmem>>, vector<16xf32>,
      %max3A = arith.maximumf %scan3A_77, %get3A_80 : vector<16xf32>
      scf.yield %max3A : vector<16xf32>
    }
    %scan3A_22 = arith.constant 625 : i32
    %reduce_max3A = arith.constant true
    %reduce_max3A_23 = vector.broadcast %reduce_max3A : i1 to vector<16xi1>
    %reduce_max3A_24 = tpu.scan <max>, %scan3A_21 masked %reduce_max3A_23 : vector<16xf32>, vector<16xi1> -> vector<16xf32>
    %reduce_max3A_25 = vector.extract %reduce_max3A_24[15] : f32 from vector<16xf32>
    %barrier3A = arith.constant 0 : index
    tpu.barrier barrier_id(%barrier3A)
    %mul3A_26 = arith.constant 125 : i32
    %mul3A_27 = arith.muli %add3A, %mul3A_26 : i32
    %add3A_28 = arith.constant 0 : i32
    %add3A_29 = arith.addi %mul3A_27, %add3A_28 : i32
    "tpu.region"() ({
      %run_scoped3A = tpu.sem_alloc : memref<!tpu.dma_semaphore, #tpu.memory_space<semaphore_mem>>
      %dma_start3A_76 = arith.constant 0 : i32
      %dma_start3A_77 = arith.constant 0 : i32
      %dma_start3A_78 = tpu.memref_slice %arg3[%add3A_29, %dma_start3A_76, %dma_start3A_77] : memref<4000x2x80xi32, #tpu.memory_space<hbm>> -> memref<1x2x80xi32, #tpu.memory_space<hbm>>
      %dma_start3A_79 = tpu.memref_squeeze %dma_start3A_78 : memref<1x2x80xi32, #tpu.memory_space<hbm>> -> memref<2x80xi32, #tpu.memory_space<hbm>>
      %dma_start3A_80 = arith.constant 0 : i32
      %dma_start3A_81 = arith.constant 0 : i32
      %dma_start3A_82 = tpu.memref_slice %arg3[%add3A_29, %dma_start3A_80, %dma_start3A_81] : memref<4000x2x80xi32, #tpu.memory_space<hbm>> -> memref<1x2x80xi32, #tpu.memory_space<hbm>>
      %dma_start3A_83 = tpu.memref_squeeze %dma_start3A_82 : memref<1x2x80xi32, #tpu.memory_space<hbm>> -> memref<2x80xi32, #tpu.memory_space<hbm>>
      tpu.enqueue_dma source(%dma_start3A_83 : memref<2x80xi32, #tpu.memory_space<hbm>>) target(%arg10 : memref<2x80xi32, #tpu.memory_space<vmem>>) target_semaphore(%run_scoped3A : memref<!tpu.dma_semaphore, #tpu.memory_space<semaphore_mem>>)
      %dma_wait3A_84 = arith.constant 0 : i32
      %dma_wait3A_85 = arith.constant 0 : i32
      %dma_wait3A_86 = tpu.memref_slice %arg3[%add3A_29, %dma_wait3A_84, %dma_wait3A_85] : memref<4000x2x80xi32, #tpu.memory_space<hbm>> -> memref<1x2x80xi32, #tpu.memory_space<hbm>>
      %dma_wait3A_87 = tpu.memref_squeeze %dma_wait3A_86 : memref<1x2x80xi32, #tpu.memory_space<hbm>> -> memref<2x80xi32, #tpu.memory_space<hbm>>
      %dma_wait3A_88 = arith.constant 0 : i32
      %dma_wait3A_89 = arith.constant 0 : i32
      %dma_wait3A_90 = tpu.memref_slice %arg3[%add3A_29, %dma_wait3A_88, %dma_wait3A_89] : memref<4000x2x80xi32, #tpu.memory_space<hbm>> -> memref<1x2x80xi32, #tpu.memory_space<hbm>>
      %dma_wait3A_91 = tpu.memref_squeeze %dma_wait3A_90 : memref<1x2x80xi32, #tpu.memory_space<hbm>> -> memref<2x80xi32, #tpu.memory_space<hbm>>
      tpu.wait_dma2 semaphore(%run_scoped3A : memref<!tpu.dma_semaphore, #tpu.memory_space<semaphore_mem>>) src(%dma_wait3A_91 : memref<2x80xi32, #tpu.memory_space<hbm>>) dst(%arg10 : memref<2x80xi32, #tpu.memory_space<vmem>>)
      tpu.yield
    }) : () -> ()
    %dma_start3A = arith.constant 0 : i32
    %dma_start3A_30 = arith.constant 0 : i32
    %dma_start3A_31 = tpu.memref_slice %arg10[%dma_start3A, %dma_start3A_30] : memref<2x80xi32, #tpu.memory_space<vmem>> -> memref<1x80xi32, #tpu.memory_space<vmem>>
    %dma_start3A_32 = tpu.memref_squeeze %dma_start3A_31 : memref<1x80xi32, #tpu.memory_space<vmem>> -> memref<80xi32, #tpu.memory_space<vmem>>
    %dma_start3A_33 = arith.constant 0 : i32
    %dma_start3A_34 = arith.constant 0 : i32
    %dma_start3A_35 = tpu.memref_slice %arg2[%dma_start3A_33, %dma_start3A_34] : memref<10000x128xf32, #tpu.memory_space<hbm>> -> memref<10000x128xf32, #tpu.memory_space<hbm>>
    tpu.enqueue_indirect_dma source(%dma_start3A_35 : memref<10000x128xf32, #tpu.memory_space<hbm>>) target(%arg13 : memref<80x128xf32, #tpu.memory_space<vmem>>) offsets(%dma_start3A_32 : memref<80xi32, #tpu.memory_space<vmem>>) semaphore(%arg17 : memref<!tpu.dma_semaphore, #tpu.memory_space<semaphore_mem>>)
    %scan3A_36 = arith.constant 0 : i32
    %scan3A_37 = arith.constant 63 : i32
    %scan3A_38 = arith.addi %scan3A_36, %scan3A_37 : i32
    %scan3A_39 = arith.constant 1 : i32
    scf.for %scan3A_76 = %scan3A_36 to %scan3A_38 step %scan3A_39  : i32 {
      %mul3A_77 = arith.constant 1 : i32
      %mul3A_78 = arith.muli %scan3A_76, %mul3A_77 : i32
      %add3A_79 = arith.constant 0 : i32
      %add3A_80 = arith.addi %add3A_79, %mul3A_78 : i32
      %mul3A_81 = arith.constant 2 : i32
      %mul3A_82 = arith.muli %mul3A_81, %add3A_80 : i32
      %add3A_83 = arith.constant 1 : i32
      %add3A_84 = arith.addi %mul3A_82, %add3A_83 : i32
      %le3A = arith.constant 124 : i32
      %le3A_85 = arith.cmpi sle, %add3A_84, %le3A : i32
      %convert_element_type3A_86 = arith.extui %le3A_85 : i1 to i32
      %cond3A_87 = arith.constant 0 : i32
      %cond3A_88 = arith.cmpi ne, %convert_element_type3A_86, %cond3A_87 : i32
      scf.if %cond3A_88 {
        %add3A_232 = arith.constant 1 : i32
        %add3A_233 = arith.addi %mul3A_82, %add3A_232 : i32
        %add3A_234 = arith.addi %mul3A_27, %add3A_233 : i32
        "tpu.region"() ({
          %run_scoped3A_242 = tpu.sem_alloc : memref<!tpu.dma_semaphore, #tpu.memory_space<semaphore_mem>>
          %dma_start3A_243 = arith.constant 0 : i32
          %dma_start3A_244 = arith.constant 0 : i32
          %dma_start3A_245 = tpu.memref_slice %arg3[%add3A_234, %dma_start3A_243, %dma_start3A_244] : memref<4000x2x80xi32, #tpu.memory_space<hbm>> -> memref<1x2x80xi32, #tpu.memory_space<hbm>>
          %dma_start3A_246 = tpu.memref_squeeze %dma_start3A_245 : memref<1x2x80xi32, #tpu.memory_space<hbm>> -> memref<2x80xi32, #tpu.memory_space<hbm>>
          %dma_start3A_247 = arith.constant 0 : i32
          %dma_start3A_248 = arith.constant 0 : i32
          %dma_start3A_249 = tpu.memref_slice %arg3[%add3A_234, %dma_start3A_247, %dma_start3A_248] : memref<4000x2x80xi32, #tpu.memory_space<hbm>> -> memref<1x2x80xi32, #tpu.memory_space<hbm>>
          %dma_start3A_250 = tpu.memref_squeeze %dma_start3A_249 : memref<1x2x80xi32, #tpu.memory_space<hbm>> -> memref<2x80xi32, #tpu.memory_space<hbm>>
          tpu.enqueue_dma source(%dma_start3A_250 : memref<2x80xi32, #tpu.memory_space<hbm>>) target(%arg11 : memref<2x80xi32, #tpu.memory_space<vmem>>) target_semaphore(%run_scoped3A_242 : memref<!tpu.dma_semaphore, #tpu.memory_space<semaphore_mem>>)
          %dma_wait3A_251 = arith.constant 0 : i32
          %dma_wait3A_252 = arith.constant 0 : i32
          %dma_wait3A_253 = tpu.memref_slice %arg3[%add3A_234, %dma_wait3A_251, %dma_wait3A_252] : memref<4000x2x80xi32, #tpu.memory_space<hbm>> -> memref<1x2x80xi32, #tpu.memory_space<hbm>>
          %dma_wait3A_254 = tpu.memref_squeeze %dma_wait3A_253 : memref<1x2x80xi32, #tpu.memory_space<hbm>> -> memref<2x80xi32, #tpu.memory_space<hbm>>
          %dma_wait3A_255 = arith.constant 0 : i32
          %dma_wait3A_256 = arith.constant 0 : i32
          %dma_wait3A_257 = tpu.memref_slice %arg3[%add3A_234, %dma_wait3A_255, %dma_wait3A_256] : memref<4000x2x80xi32, #tpu.memory_space<hbm>> -> memref<1x2x80xi32, #tpu.memory_space<hbm>>
          %dma_wait3A_258 = tpu.memref_squeeze %dma_wait3A_257 : memref<1x2x80xi32, #tpu.memory_space<hbm>> -> memref<2x80xi32, #tpu.memory_space<hbm>>
          tpu.wait_dma2 semaphore(%run_scoped3A_242 : memref<!tpu.dma_semaphore, #tpu.memory_space<semaphore_mem>>) src(%dma_wait3A_258 : memref<2x80xi32, #tpu.memory_space<hbm>>) dst(%arg11 : memref<2x80xi32, #tpu.memory_space<vmem>>)
          tpu.yield
        }) : () -> ()
        %dma_start3A_235 = arith.constant 0 : i32
        %dma_start3A_236 = arith.constant 0 : i32
        %dma_start3A_237 = tpu.memref_slice %arg11[%dma_start3A_235, %dma_start3A_236] : memref<2x80xi32, #tpu.memory_space<vmem>> -> memref<1x80xi32, #tpu.memory_space<vmem>>
        %dma_start3A_238 = tpu.memref_squeeze %dma_start3A_237 : memref<1x80xi32, #tpu.memory_space<vmem>> -> memref<80xi32, #tpu.memory_space<vmem>>
        %dma_start3A_239 = arith.constant 0 : i32
        %dma_start3A_240 = arith.constant 0 : i32
        %dma_start3A_241 = tpu.memref_slice %arg2[%dma_start3A_239, %dma_start3A_240] : memref<10000x128xf32, #tpu.memory_space<hbm>> -> memref<10000x128xf32, #tpu.memory_space<hbm>>
        tpu.enqueue_indirect_dma source(%dma_start3A_241 : memref<10000x128xf32, #tpu.memory_space<hbm>>) target(%arg14 : memref<80x128xf32, #tpu.memory_space<vmem>>) offsets(%dma_start3A_238 : memref<80xi32, #tpu.memory_space<vmem>>) semaphore(%arg18 : memref<!tpu.dma_semaphore, #tpu.memory_space<semaphore_mem>>)
      } else {
      }
      %get3A = arith.constant 0 : i32
      %get3A_89 = arith.index_cast %get3A : i32 to index
      %get3A_90 = arith.constant 0 : index
      %get3A_91 = tpu.vector_load %arg10[%get3A_89, %get3A_90] {strides = array<i32>} : memref<2x80xi32, #tpu.memory_space<vmem>>, vector<16xi32>,
      %get3A_92 = arith.constant 1 : i32
      %get3A_93 = arith.index_cast %get3A_92 : i32 to index
      %get3A_94 = arith.constant 0 : index
      %get3A_95 = tpu.vector_load %arg10[%get3A_93, %get3A_94] {strides = array<i32>} : memref<2x80xi32, #tpu.memory_space<vmem>>, vector<16xi32>,
      %gather3A = tpu.vector_load_idx %arg8[%get3A_91] : memref<10000xf32, #tpu.memory_space<vmem>>[vector<16xi32>], vector<16xf32>,
      %gather3A_96 = tpu.vector_load_idx %arg9[%get3A_95] : memref<10000xf32, #tpu.memory_space<vmem>>[vector<16xi32>], vector<16xf32>,
      %add3A_97 = arith.addf %gather3A, %gather3A_96 : vector<16xf32>
      %mul3A_98 = arith.constant 2.000000e-01 : f32
      %mul3A_99 = vector.broadcast %mul3A_98 : f32 to vector<16xf32>
      %mul3A_100 = arith.mulf %mul3A_99, %add3A_97 : vector<16xf32>
      %max3A = arith.maximumf %add3A_97, %mul3A_100 : vector<16xf32>
      %add3A_101 = vector.broadcast %reduce_max3A_25 : f32 to vector<16xf32>
      %add3A_102 = arith.addf %add3A_101, %gather3A_96 : vector<16xf32>
      %mul3A_103 = arith.constant 2.000000e-01 : f32
      %mul3A_104 = vector.broadcast %mul3A_103 : f32 to vector<16xf32>
      %mul3A_105 = arith.mulf %mul3A_104, %add3A_102 : vector<16xf32>
      %max3A_106 = arith.maximumf %add3A_102, %mul3A_105 : vector<16xf32>
      %sub3A = arith.subf %max3A, %max3A_106 : vector<16xf32>
      %exp3A = math.exp %sub3A : vector<16xf32>
      %swap3A = arith.constant 0 : index
      %swap3A_107 = tpu.vector_load %arg12[%swap3A] {strides = array<i32>} : memref<80xf32, #tpu.memory_space<vmem>>, vector<16xf32>,
      tpu.vector_store %arg12[%swap3A], %exp3A {strides = array<i32>} : memref<80xf32, #tpu.memory_space<vmem>>, vector<16xf32>,
      tpu.vector_store_idx %arg15[%get3A_95], %exp3A {add = true} : memref<10000xf32, #tpu.memory_space<vmem>>[vector<16xi32>], vector<16xf32>,
      %get3A_108 = arith.constant 0 : i32
      %get3A_109 = arith.index_cast %get3A_108 : i32 to index
      %get3A_110 = arith.constant 16 : index
      %get3A_111 = tpu.vector_load %arg10[%get3A_109, %get3A_110] {strides = array<i32>} : memref<2x80xi32, #tpu.memory_space<vmem>>, vector<16xi32>,
      %get3A_112 = arith.constant 1 : i32
      %get3A_113 = arith.index_cast %get3A_112 : i32 to index
      %get3A_114 = arith.constant 16 : index
      %get3A_115 = tpu.vector_load %arg10[%get3A_113, %get3A_114] {strides = array<i32>} : memref<2x80xi32, #tpu.memory_space<vmem>>, vector<16xi32>,
      %gather3A_116 = tpu.vector_load_idx %arg8[%get3A_111] : memref<10000xf32, #tpu.memory_space<vmem>>[vector<16xi32>], vector<16xf32>,
      %gather3A_117 = tpu.vector_load_idx %arg9[%get3A_115] : memref<10000xf32, #tpu.memory_space<vmem>>[vector<16xi32>], vector<16xf32>,
      %add3A_118 = arith.addf %gather3A_116, %gather3A_117 : vector<16xf32>
      %mul3A_119 = arith.constant 2.000000e-01 : f32
      %mul3A_120 = vector.broadcast %mul3A_119 : f32 to vector<16xf32>
      %mul3A_121 = arith.mulf %mul3A_120, %add3A_118 : vector<16xf32>
      %max3A_122 = arith.maximumf %add3A_118, %mul3A_121 : vector<16xf32>
      %add3A_123 = vector.broadcast %reduce_max3A_25 : f32 to vector<16xf32>
      %add3A_124 = arith.addf %add3A_123, %gather3A_117 : vector<16xf32>
      %mul3A_125 = arith.constant 2.000000e-01 : f32
      %mul3A_126 = vector.broadcast %mul3A_125 : f32 to vector<16xf32>
      %mul3A_127 = arith.mulf %mul3A_126, %add3A_124 : vector<16xf32>
      %max3A_128 = arith.maximumf %add3A_124, %mul3A_127 : vector<16xf32>
      %sub3A_129 = arith.subf %max3A_122, %max3A_128 : vector<16xf32>
      %exp3A_130 = math.exp %sub3A_129 : vector<16xf32>
      %swap3A_131 = arith.constant 16 : index
      %swap3A_132 = tpu.vector_load %arg12[%swap3A_131] {strides = array<i32>} : memref<80xf32, #tpu.memory_space<vmem>>, vector<16xf32>,
      tpu.vector_store %arg12[%swap3A_131], %exp3A_130 {strides = array<i32>} : memref<80xf32, #tpu.memory_space<vmem>>, vector<16xf32>,
      tpu.vector_store_idx %arg15[%get3A_115], %exp3A_130 {add = true} : memref<10000xf32, #tpu.memory_space<vmem>>[vector<16xi32>], vector<16xf32>,
      %get3A_133 = arith.constant 0 : i32
      %get3A_134 = arith.index_cast %get3A_133 : i32 to index
      %get3A_135 = arith.constant 32 : index
      %get3A_136 = tpu.vector_load %arg10[%get3A_134, %get3A_135] {strides = array<i32>} : memref<2x80xi32, #tpu.memory_space<vmem>>, vector<16xi32>,
      %get3A_137 = arith.constant 1 : i32
      %get3A_138 = arith.index_cast %get3A_137 : i32 to index
      %get3A_139 = arith.constant 32 : index
      %get3A_140 = tpu.vector_load %arg10[%get3A_138, %get3A_139] {strides = array<i32>} : memref<2x80xi32, #tpu.memory_space<vmem>>, vector<16xi32>,
      %gather3A_141 = tpu.vector_load_idx %arg8[%get3A_136] : memref<10000xf32, #tpu.memory_space<vmem>>[vector<16xi32>], vector<16xf32>,
      %gather3A_142 = tpu.vector_load_idx %arg9[%get3A_140] : memref<10000xf32, #tpu.memory_space<vmem>>[vector<16xi32>], vector<16xf32>,
      %add3A_143 = arith.addf %gather3A_141, %gather3A_142 : vector<16xf32>
      %mul3A_144 = arith.constant 2.000000e-01 : f32
      %mul3A_145 = vector.broadcast %mul3A_144 : f32 to vector<16xf32>
      %mul3A_146 = arith.mulf %mul3A_145, %add3A_143 : vector<16xf32>
      %max3A_147 = arith.maximumf %add3A_143, %mul3A_146 : vector<16xf32>
      %add3A_148 = vector.broadcast %reduce_max3A_25 : f32 to vector<16xf32>
      %add3A_149 = arith.addf %add3A_148, %gather3A_142 : vector<16xf32>
      %mul3A_150 = arith.constant 2.000000e-01 : f32
      %mul3A_151 = vector.broadcast %mul3A_150 : f32 to vector<16xf32>
      %mul3A_152 = arith.mulf %mul3A_151, %add3A_149 : vector<16xf32>
      %max3A_153 = arith.maximumf %add3A_149, %mul3A_152 : vector<16xf32>
      %sub3A_154 = arith.subf %max3A_147, %max3A_153 : vector<16xf32>
      %exp3A_155 = math.exp %sub3A_154 : vector<16xf32>
      %swap3A_156 = arith.constant 32 : index
      %swap3A_157 = tpu.vector_load %arg12[%swap3A_156] {strides = array<i32>} : memref<80xf32, #tpu.memory_space<vmem>>, vector<16xf32>,
      tpu.vector_store %arg12[%swap3A_156], %exp3A_155 {strides = array<i32>} : memref<80xf32, #tpu.memory_space<vmem>>, vector<16xf32>,
      tpu.vector_store_idx %arg15[%get3A_140], %exp3A_155 {add = true} : memref<10000xf32, #tpu.memory_space<vmem>>[vector<16xi32>], vector<16xf32>,
      %get3A_158 = arith.constant 0 : i32
      %get3A_159 = arith.index_cast %get3A_158 : i32 to index
      %get3A_160 = arith.constant 48 : index
      %get3A_161 = tpu.vector_load %arg10[%get3A_159, %get3A_160] {strides = array<i32>} : memref<2x80xi32, #tpu.memory_space<vmem>>, vector<16xi32>,
      %get3A_162 = arith.constant 1 : i32
      %get3A_163 = arith.index_cast %get3A_162 : i32 to index
      %get3A_164 = arith.constant 48 : index
      %get3A_165 = tpu.vector_load %arg10[%get3A_163, %get3A_164] {strides = array<i32>} : memref<2x80xi32, #tpu.memory_space<vmem>>, vector<16xi32>,
      %gather3A_166 = tpu.vector_load_idx %arg8[%get3A_161] : memref<10000xf32, #tpu.memory_space<vmem>>[vector<16xi32>], vector<16xf32>,
      %gather3A_167 = tpu.vector_load_idx %arg9[%get3A_165] : memref<10000xf32, #tpu.memory_space<vmem>>[vector<16xi32>], vector<16xf32>,
      %add3A_168 = arith.addf %gather3A_166, %gather3A_167 : vector<16xf32>
      %mul3A_169 = arith.constant 2.000000e-01 : f32
      %mul3A_170 = vector.broadcast %mul3A_169 : f32 to vector<16xf32>
      %mul3A_171 = arith.mulf %mul3A_170, %add3A_168 : vector<16xf32>
      %max3A_172 = arith.maximumf %add3A_168, %mul3A_171 : vector<16xf32>
      %add3A_173 = vector.broadcast %reduce_max3A_25 : f32 to vector<16xf32>
      %add3A_174 = arith.addf %add3A_173, %gather3A_167 : vector<16xf32>
      %mul3A_175 = arith.constant 2.000000e-01 : f32
      %mul3A_176 = vector.broadcast %mul3A_175 : f32 to vector<16xf32>
      %mul3A_177 = arith.mulf %mul3A_176, %add3A_174 : vector<16xf32>
      %max3A_178 = arith.maximumf %add3A_174, %mul3A_177 : vector<16xf32>
      %sub3A_179 = arith.subf %max3A_172, %max3A_178 : vector<16xf32>
      %exp3A_180 = math.exp %sub3A_179 : vector<16xf32>
      %swap3A_181 = arith.constant 48 : index
      %swap3A_182 = tpu.vector_load %arg12[%swap3A_181] {strides = array<i32>} : memref<80xf32, #tpu.memory_space<vmem>>, vector<16xf32>,
      tpu.vector_store %arg12[%swap3A_181], %exp3A_180 {strides = array<i32>} : memref<80xf32, #tpu.memory_space<vmem>>, vector<16xf32>,
      tpu.vector_store_idx %arg15[%get3A_165], %exp3A_180 {add = true} : memref<10000xf32, #tpu.memory_space<vmem>>[vector<16xi32>], vector<16xf32>,
      %get3A_183 = arith.constant 0 : i32
      %get3A_184 = arith.index_cast %get3A_183 : i32 to index
      %get3A_185 = arith.constant 64 : index
      %get3A_186 = tpu.vector_load %arg10[%get3A_184, %get3A_185] {strides = array<i32>} : memref<2x80xi32, #tpu.memory_space<vmem>>, vector<16xi32>,
      %get3A_187 = arith.constant 1 : i32
      %get3A_188 = arith.index_cast %get3A_187 : i32 to index
      %get3A_189 = arith.constant 64 : index
      %get3A_190 = tpu.vector_load %arg10[%get3A_188, %get3A_189] {strides = array<i32>} : memref<2x80xi32, #tpu.memory_space<vmem>>, vector<16xi32>,
      %gather3A_191 = tpu.vector_load_idx %arg8[%get3A_186] : memref<10000xf32, #tpu.memory_space<vmem>>[vector<16xi32>], vector<16xf32>,
      %gather3A_192 = tpu.vector_load_idx %arg9[%get3A_190] : memref<10000xf32, #tpu.memory_space<vmem>>[vector<16xi32>], vector<16xf32>,
      %add3A_193 = arith.addf %gather3A_191, %gather3A_192 : vector<16xf32>
      %mul3A_194 = arith.constant 2.000000e-01 : f32
      %mul3A_195 = vector.broadcast %mul3A_194 : f32 to vector<16xf32>
      %mul3A_196 = arith.mulf %mul3A_195, %add3A_193 : vector<16xf32>
      %max3A_197 = arith.maximumf %add3A_193, %mul3A_196 : vector<16xf32>
      %add3A_198 = vector.broadcast %reduce_max3A_25 : f32 to vector<16xf32>
      %add3A_199 = arith.addf %add3A_198, %gather3A_192 : vector<16xf32>
      %mul3A_200 = arith.constant 2.000000e-01 : f32
      %mul3A_201 = vector.broadcast %mul3A_200 : f32 to vector<16xf32>
      %mul3A_202 = arith.mulf %mul3A_201, %add3A_199 : vector<16xf32>
      %max3A_203 = arith.maximumf %add3A_199, %mul3A_202 : vector<16xf32>
      %sub3A_204 = arith.subf %max3A_197, %max3A_203 : vector<16xf32>
      %exp3A_205 = math.exp %sub3A_204 : vector<16xf32>
      %swap3A_206 = arith.constant 64 : index
      %swap3A_207 = tpu.vector_load %arg12[%swap3A_206] {strides = array<i32>} : memref<80xf32, #tpu.memory_space<vmem>>, vector<16xf32>,
      tpu.vector_store %arg12[%swap3A_206], %exp3A_205 {strides = array<i32>} : memref<80xf32, #tpu.memory_space<vmem>>, vector<16xf32>,
      tpu.vector_store_idx %arg15[%get3A_190], %exp3A_205 {add = true} : memref<10000xf32, #tpu.memory_space<vmem>>[vector<16xi32>], vector<16xf32>,
      %dma_wait3A_208 = arith.constant 0 : i32
      %dma_wait3A_209 = arith.constant 0 : i32
      %dma_wait3A_210 = tpu.memref_slice %arg10[%dma_wait3A_208, %dma_wait3A_209] : memref<2x80xi32, #tpu.memory_space<vmem>> -> memref<1x80xi32, #tpu.memory_space<vmem>>
      %dma_wait3A_211 = tpu.memref_squeeze %dma_wait3A_210 : memref<1x80xi32, #tpu.memory_space<vmem>> -> memref<80xi32, #tpu.memory_space<vmem>>
      %dma_wait3A_212 = arith.constant 0 : i32
      %dma_wait3A_213 = arith.constant 0 : i32
      %dma_wait3A_214 = tpu.memref_slice %arg2[%dma_wait3A_212, %dma_wait3A_213] : memref<10000x128xf32, #tpu.memory_space<hbm>> -> memref<10000x128xf32, #tpu.memory_space<hbm>>
      tpu.wait_indirect_dma semaphore(%arg17 : memref<!tpu.dma_semaphore, #tpu.memory_space<semaphore_mem>>) src(%dma_wait3A_214 : memref<10000x128xf32, #tpu.memory_space<hbm>>) dst(%arg13 : memref<80x128xf32, #tpu.memory_space<vmem>>)
      %parallel_loop3A_215 = arith.constant 0 : i32
      %parallel_loop3A_216 = arith.constant 80 : i32
      %parallel_loop3A_217 = arith.constant 1 : i32
      scf.for %parallel_loop3A_232 = %parallel_loop3A_215 to %parallel_loop3A_216 step %parallel_loop3A_217  : i32 {
        %parallel_loop3A_233 = vector.broadcast %parallel_loop3A_232 : i32 to vector<16xi32>
        %parallel_loop3A_234 = tpu.vector_load_idx %arg12[%parallel_loop3A_233] : memref<80xf32, #tpu.memory_space<vmem>>[vector<16xi32>], vector<16xf32>,
        %parallel_loop3A_235 = arith.index_cast %parallel_loop3A_232 : i32 to index
        %parallel_loop3A_236 = arith.constant 0 : index
        %parallel_loop3A_237 = tpu.vector_load %arg13[%parallel_loop3A_235, %parallel_loop3A_236] {strides = array<i32>} : memref<80x128xf32, #tpu.memory_space<vmem>>, vector<16xf32>,
        %parallel_loop3A_238 = arith.mulf %parallel_loop3A_237, %parallel_loop3A_234 : vector<16xf32>
        %parallel_loop3A_239 = arith.index_cast %parallel_loop3A_232 : i32 to index
        %parallel_loop3A_240 = arith.constant 0 : index
        %parallel_loop3A_241 = tpu.vector_load %arg13[%parallel_loop3A_239, %parallel_loop3A_240] {strides = array<i32>} : memref<80x128xf32, #tpu.memory_space<vmem>>, vector<16xf32>,
        tpu.vector_store %arg13[%parallel_loop3A_239, %parallel_loop3A_240], %parallel_loop3A_238 {strides = array<i32>} : memref<80x128xf32, #tpu.memory_space<vmem>>, vector<16xf32>,
        %parallel_loop3A_242 = arith.index_cast %parallel_loop3A_232 : i32 to index
        %parallel_loop3A_243 = arith.constant 16 : index
        %parallel_loop3A_244 = tpu.vector_load %arg13[%parallel_loop3A_242, %parallel_loop3A_243] {strides = array<i32>} : memref<80x128xf32, #tpu.memory_space<vmem>>, vector<16xf32>,
        %parallel_loop3A_245 = arith.mulf %parallel_loop3A_244, %parallel_loop3A_234 : vector<16xf32>
        %parallel_loop3A_246 = arith.index_cast %parallel_loop3A_232 : i32 to index
        %parallel_loop3A_247 = arith.constant 16 : index
        %parallel_loop3A_248 = tpu.vector_load %arg13[%parallel_loop3A_246, %parallel_loop3A_247] {strides = array<i32>} : memref<80x128xf32, #tpu.memory_space<vmem>>, vector<16xf32>,
        tpu.vector_store %arg13[%parallel_loop3A_246, %parallel_loop3A_247], %parallel_loop3A_245 {strides = array<i32>} : memref<80x128xf32, #tpu.memory_space<vmem>>, vector<16xf32>,
        %parallel_loop3A_249 = arith.index_cast %parallel_loop3A_232 : i32 to index
        %parallel_loop3A_250 = arith.constant 32 : index
        %parallel_loop3A_251 = tpu.vector_load %arg13[%parallel_loop3A_249, %parallel_loop3A_250] {strides = array<i32>} : memref<80x128xf32, #tpu.memory_space<vmem>>, vector<16xf32>,
        %parallel_loop3A_252 = arith.mulf %parallel_loop3A_251, %parallel_loop3A_234 : vector<16xf32>
        %parallel_loop3A_253 = arith.index_cast %parallel_loop3A_232 : i32 to index
        %parallel_loop3A_254 = arith.constant 32 : index
        %parallel_loop3A_255 = tpu.vector_load %arg13[%parallel_loop3A_253, %parallel_loop3A_254] {strides = array<i32>} : memref<80x128xf32, #tpu.memory_space<vmem>>, vector<16xf32>,
        tpu.vector_store %arg13[%parallel_loop3A_253, %parallel_loop3A_254], %parallel_loop3A_252 {strides = array<i32>} : memref<80x128xf32, #tpu.memory_space<vmem>>, vector<16xf32>,
        %parallel_loop3A_256 = arith.index_cast %parallel_loop3A_232 : i32 to index
        %parallel_loop3A_257 = arith.constant 48 : index
        %parallel_loop3A_258 = tpu.vector_load %arg13[%parallel_loop3A_256, %parallel_loop3A_257] {strides = array<i32>} : memref<80x128xf32, #tpu.memory_space<vmem>>, vector<16xf32>,
        %parallel_loop3A_259 = arith.mulf %parallel_loop3A_258, %parallel_loop3A_234 : vector<16xf32>
        %parallel_loop3A_260 = arith.index_cast %parallel_loop3A_232 : i32 to index
        %parallel_loop3A_261 = arith.constant 48 : index
        %parallel_loop3A_262 = tpu.vector_load %arg13[%parallel_loop3A_260, %parallel_loop3A_261] {strides = array<i32>} : memref<80x128xf32, #tpu.memory_space<vmem>>, vector<16xf32>,
        tpu.vector_store %arg13[%parallel_loop3A_260, %parallel_loop3A_261], %parallel_loop3A_259 {strides = array<i32>} : memref<80x128xf32, #tpu.memory_space<vmem>>, vector<16xf32>,
        %parallel_loop3A_263 = arith.index_cast %parallel_loop3A_232 : i32 to index
        %parallel_loop3A_264 = arith.constant 64 : index
        %parallel_loop3A_265 = tpu.vector_load %arg13[%parallel_loop3A_263, %parallel_loop3A_264] {strides = array<i32>} : memref<80x128xf32, #tpu.memory_space<vmem>>, vector<16xf32>,
        %parallel_loop3A_266 = arith.mulf %parallel_loop3A_265, %parallel_loop3A_234 : vector<16xf32>
        %parallel_loop3A_267 = arith.index_cast %parallel_loop3A_232 : i32 to index
        %parallel_loop3A_268 = arith.constant 64 : index
        %parallel_loop3A_269 = tpu.vector_load %arg13[%parallel_loop3A_267, %parallel_loop3A_268] {strides = array<i32>} : memref<80x128xf32, #tpu.memory_space<vmem>>, vector<16xf32>,
        tpu.vector_store %arg13[%parallel_loop3A_267, %parallel_loop3A_268], %parallel_loop3A_266 {strides = array<i32>} : memref<80x128xf32, #tpu.memory_space<vmem>>, vector<16xf32>,
        %parallel_loop3A_270 = arith.index_cast %parallel_loop3A_232 : i32 to index
        %parallel_loop3A_271 = arith.constant 80 : index
        %parallel_loop3A_272 = tpu.vector_load %arg13[%parallel_loop3A_270, %parallel_loop3A_271] {strides = array<i32>} : memref<80x128xf32, #tpu.memory_space<vmem>>, vector<16xf32>,
        %parallel_loop3A_273 = arith.mulf %parallel_loop3A_272, %parallel_loop3A_234 : vector<16xf32>
        %parallel_loop3A_274 = arith.index_cast %parallel_loop3A_232 : i32 to index
        %parallel_loop3A_275 = arith.constant 80 : index
        %parallel_loop3A_276 = tpu.vector_load %arg13[%parallel_loop3A_274, %parallel_loop3A_275] {strides = array<i32>} : memref<80x128xf32, #tpu.memory_space<vmem>>, vector<16xf32>,
        tpu.vector_store %arg13[%parallel_loop3A_274, %parallel_loop3A_275], %parallel_loop3A_273 {strides = array<i32>} : memref<80x128xf32, #tpu.memory_space<vmem>>, vector<16xf32>,
        %parallel_loop3A_277 = arith.index_cast %parallel_loop3A_232 : i32 to index
        %parallel_loop3A_278 = arith.constant 96 : index
        %parallel_loop3A_279 = tpu.vector_load %arg13[%parallel_loop3A_277, %parallel_loop3A_278] {strides = array<i32>} : memref<80x128xf32, #tpu.memory_space<vmem>>, vector<16xf32>,
        %parallel_loop3A_280 = arith.mulf %parallel_loop3A_279, %parallel_loop3A_234 : vector<16xf32>
        %parallel_loop3A_281 = arith.index_cast %parallel_loop3A_232 : i32 to index
        %parallel_loop3A_282 = arith.constant 96 : index
        %parallel_loop3A_283 = tpu.vector_load %arg13[%parallel_loop3A_281, %parallel_loop3A_282] {strides = array<i32>} : memref<80x128xf32, #tpu.memory_space<vmem>>, vector<16xf32>,
        tpu.vector_store %arg13[%parallel_loop3A_281, %parallel_loop3A_282], %parallel_loop3A_280 {strides = array<i32>} : memref<80x128xf32, #tpu.memory_space<vmem>>, vector<16xf32>,
        %parallel_loop3A_284 = arith.index_cast %parallel_loop3A_232 : i32 to index
        %parallel_loop3A_285 = arith.constant 112 : index
        %parallel_loop3A_286 = tpu.vector_load %arg13[%parallel_loop3A_284, %parallel_loop3A_285] {strides = array<i32>} : memref<80x128xf32, #tpu.memory_space<vmem>>, vector<16xf32>,
        %parallel_loop3A_287 = arith.mulf %parallel_loop3A_286, %parallel_loop3A_234 : vector<16xf32>
        %parallel_loop3A_288 = arith.index_cast %parallel_loop3A_232 : i32 to index
        %parallel_loop3A_289 = arith.constant 112 : index
        %parallel_loop3A_290 = tpu.vector_load %arg13[%parallel_loop3A_288, %parallel_loop3A_289] {strides = array<i32>} : memref<80x128xf32, #tpu.memory_space<vmem>>, vector<16xf32>,
        tpu.vector_store %arg13[%parallel_loop3A_288, %parallel_loop3A_289], %parallel_loop3A_287 {strides = array<i32>} : memref<80x128xf32, #tpu.memory_space<vmem>>, vector<16xf32>,
      } {sc.loop_unroll_factor = 8 : i64, sc.parallel_access}
      %run_scoped3A = arith.constant 1 : i32
      "tpu.region"() ({
        %run_scoped3A_232 = tpu.sem_alloc : memref<!tpu.dma_semaphore, #tpu.memory_space<semaphore_mem>>
        %dma_start3A_233 = arith.constant 0 : i32
        %dma_start3A_234 = tpu.memref_slice %arg10[%run_scoped3A, %dma_start3A_233] : memref<2x80xi32, #tpu.memory_space<vmem>> -> memref<1x80xi32, #tpu.memory_space<vmem>>
        %dma_start3A_235 = tpu.memref_squeeze %dma_start3A_234 : memref<1x80xi32, #tpu.memory_space<vmem>> -> memref<80xi32, #tpu.memory_space<vmem>>
        %dma_start3A_236 = arith.constant 0 : i32
        %dma_start3A_237 = arith.constant 0 : i32
        %dma_start3A_238 = tpu.memref_slice %arg16[%dma_start3A_236, %dma_start3A_237] : memref<10000x128xf32, #tpu.memory_space<vmem_shared>> -> memref<10000x128xf32, #tpu.memory_space<vmem_shared>>
        tpu.enqueue_indirect_dma source(%arg13 : memref<80x128xf32, #tpu.memory_space<vmem>>) target(%dma_start3A_238 : memref<10000x128xf32, #tpu.memory_space<vmem_shared>>) offsets(%dma_start3A_235 : memref<80xi32, #tpu.memory_space<vmem>>) semaphore(%run_scoped3A_232 : memref<!tpu.dma_semaphore, #tpu.memory_space<semaphore_mem>>) {add = true}
        %dma_wait3A_239 = arith.constant 0 : i32
        %dma_wait3A_240 = tpu.memref_slice %arg10[%run_scoped3A, %dma_wait3A_239] : memref<2x80xi32, #tpu.memory_space<vmem>> -> memref<1x80xi32, #tpu.memory_space<vmem>>
        %dma_wait3A_241 = tpu.memref_squeeze %dma_wait3A_240 : memref<1x80xi32, #tpu.memory_space<vmem>> -> memref<80xi32, #tpu.memory_space<vmem>>
        %dma_wait3A_242 = arith.constant 0 : i32
        %dma_wait3A_243 = arith.constant 0 : i32
        %dma_wait3A_244 = tpu.memref_slice %arg16[%dma_wait3A_242, %dma_wait3A_243] : memref<10000x128xf32, #tpu.memory_space<vmem_shared>> -> memref<10000x128xf32, #tpu.memory_space<vmem_shared>>
        tpu.wait_indirect_dma semaphore(%run_scoped3A_232 : memref<!tpu.dma_semaphore, #tpu.memory_space<semaphore_mem>>) src(%arg13 : memref<80x128xf32, #tpu.memory_space<vmem>>) dst(%dma_wait3A_244 : memref<10000x128xf32, #tpu.memory_space<vmem_shared>>)
        tpu.yield
      }) : () -> ()
      %add3A_218 = arith.constant 2 : i32
      %add3A_219 = arith.addi %mul3A_82, %add3A_218 : i32
      %le3A_220 = arith.constant 124 : i32
      %le3A_221 = arith.cmpi sle, %add3A_219, %le3A_220 : i32
      %convert_element_type3A_222 = arith.extui %le3A_221 : i1 to i32
      %cond3A_223 = arith.constant 0 : i32
      %cond3A_224 = arith.cmpi ne, %convert_element_type3A_222, %cond3A_223 : i32
      scf.if %cond3A_224 {
        %add3A_232 = arith.constant 2 : i32
        %add3A_233 = arith.addi %mul3A_82, %add3A_232 : i32
        %add3A_234 = arith.addi %mul3A_27, %add3A_233 : i32
        "tpu.region"() ({
          %run_scoped3A_242 = tpu.sem_alloc : memref<!tpu.dma_semaphore, #tpu.memory_space<semaphore_mem>>
          %dma_start3A_243 = arith.constant 0 : i32
          %dma_start3A_244 = arith.constant 0 : i32
          %dma_start3A_245 = tpu.memref_slice %arg3[%add3A_234, %dma_start3A_243, %dma_start3A_244] : memref<4000x2x80xi32, #tpu.memory_space<hbm>> -> memref<1x2x80xi32, #tpu.memory_space<hbm>>
          %dma_start3A_246 = tpu.memref_squeeze %dma_start3A_245 : memref<1x2x80xi32, #tpu.memory_space<hbm>> -> memref<2x80xi32, #tpu.memory_space<hbm>>
          %dma_start3A_247 = arith.constant 0 : i32
          %dma_start3A_248 = arith.constant 0 : i32
          %dma_start3A_249 = tpu.memref_slice %arg3[%add3A_234, %dma_start3A_247, %dma_start3A_248] : memref<4000x2x80xi32, #tpu.memory_space<hbm>> -> memref<1x2x80xi32, #tpu.memory_space<hbm>>
          %dma_start3A_250 = tpu.memref_squeeze %dma_start3A_249 : memref<1x2x80xi32, #tpu.memory_space<hbm>> -> memref<2x80xi32, #tpu.memory_space<hbm>>
          tpu.enqueue_dma source(%dma_start3A_250 : memref<2x80xi32, #tpu.memory_space<hbm>>) target(%arg10 : memref<2x80xi32, #tpu.memory_space<vmem>>) target_semaphore(%run_scoped3A_242 : memref<!tpu.dma_semaphore, #tpu.memory_space<semaphore_mem>>)
          %dma_wait3A_251 = arith.constant 0 : i32
          %dma_wait3A_252 = arith.constant 0 : i32
          %dma_wait3A_253 = tpu.memref_slice %arg3[%add3A_234, %dma_wait3A_251, %dma_wait3A_252] : memref<4000x2x80xi32, #tpu.memory_space<hbm>> -> memref<1x2x80xi32, #tpu.memory_space<hbm>>
          %dma_wait3A_254 = tpu.memref_squeeze %dma_wait3A_253 : memref<1x2x80xi32, #tpu.memory_space<hbm>> -> memref<2x80xi32, #tpu.memory_space<hbm>>
          %dma_wait3A_255 = arith.constant 0 : i32
          %dma_wait3A_256 = arith.constant 0 : i32
          %dma_wait3A_257 = tpu.memref_slice %arg3[%add3A_234, %dma_wait3A_255, %dma_wait3A_256] : memref<4000x2x80xi32, #tpu.memory_space<hbm>> -> memref<1x2x80xi32, #tpu.memory_space<hbm>>
          %dma_wait3A_258 = tpu.memref_squeeze %dma_wait3A_257 : memref<1x2x80xi32, #tpu.memory_space<hbm>> -> memref<2x80xi32, #tpu.memory_space<hbm>>
          tpu.wait_dma2 semaphore(%run_scoped3A_242 : memref<!tpu.dma_semaphore, #tpu.memory_space<semaphore_mem>>) src(%dma_wait3A_258 : memref<2x80xi32, #tpu.memory_space<hbm>>) dst(%arg10 : memref<2x80xi32, #tpu.memory_space<vmem>>)
          tpu.yield
        }) : () -> ()
        %dma_start3A_235 = arith.constant 0 : i32
        %dma_start3A_236 = arith.constant 0 : i32
        %dma_start3A_237 = tpu.memref_slice %arg10[%dma_start3A_235, %dma_start3A_236] : memref<2x80xi32, #tpu.memory_space<vmem>> -> memref<1x80xi32, #tpu.memory_space<vmem>>
        %dma_start3A_238 = tpu.memref_squeeze %dma_start3A_237 : memref<1x80xi32, #tpu.memory_space<vmem>> -> memref<80xi32, #tpu.memory_space<vmem>>
        %dma_start3A_239 = arith.constant 0 : i32
        %dma_start3A_240 = arith.constant 0 : i32
        %dma_start3A_241 = tpu.memref_slice %arg2[%dma_start3A_239, %dma_start3A_240] : memref<10000x128xf32, #tpu.memory_space<hbm>> -> memref<10000x128xf32, #tpu.memory_space<hbm>>
        tpu.enqueue_indirect_dma source(%dma_start3A_241 : memref<10000x128xf32, #tpu.memory_space<hbm>>) target(%arg13 : memref<80x128xf32, #tpu.memory_space<vmem>>) offsets(%dma_start3A_238 : memref<80xi32, #tpu.memory_space<vmem>>) semaphore(%arg17 : memref<!tpu.dma_semaphore, #tpu.memory_space<semaphore_mem>>)
      } else {
      }
      %add3A_225 = arith.constant 1 : i32
      %add3A_226 = arith.addi %mul3A_82, %add3A_225 : i32
      %le3A_227 = arith.constant 124 : i32
      %le3A_228 = arith.cmpi sle, %add3A_226, %le3A_227 : i32
      %convert_element_type3A_229 = arith.extui %le3A_228 : i1 to i32
      %cond3A_230 = arith.constant 0 : i32
      %cond3A_231 = arith.cmpi ne, %convert_element_type3A_229, %cond3A_230 : i32
      scf.if %cond3A_231 {
        %get3A_232 = arith.constant 0 : i32
        %get3A_233 = arith.index_cast %get3A_232 : i32 to index
        %get3A_234 = arith.constant 0 : index
        %get3A_235 = tpu.vector_load %arg11[%get3A_233, %get3A_234] {strides = array<i32>} : memref<2x80xi32, #tpu.memory_space<vmem>>, vector<16xi32>,
        %get3A_236 = arith.constant 1 : i32
        %get3A_237 = arith.index_cast %get3A_236 : i32 to index
        %get3A_238 = arith.constant 0 : index
        %get3A_239 = tpu.vector_load %arg11[%get3A_237, %get3A_238] {strides = array<i32>} : memref<2x80xi32, #tpu.memory_space<vmem>>, vector<16xi32>,
        %gather3A_240 = tpu.vector_load_idx %arg8[%get3A_235] : memref<10000xf32, #tpu.memory_space<vmem>>[vector<16xi32>], vector<16xf32>,
        %gather3A_241 = tpu.vector_load_idx %arg9[%get3A_239] : memref<10000xf32, #tpu.memory_space<vmem>>[vector<16xi32>], vector<16xf32>,
        %add3A_242 = arith.addf %gather3A_240, %gather3A_241 : vector<16xf32>
        %mul3A_243 = arith.constant 2.000000e-01 : f32
        %mul3A_244 = vector.broadcast %mul3A_243 : f32 to vector<16xf32>
        %mul3A_245 = arith.mulf %mul3A_244, %add3A_242 : vector<16xf32>
        %max3A_246 = arith.maximumf %add3A_242, %mul3A_245 : vector<16xf32>
        %add3A_247 = vector.broadcast %reduce_max3A_25 : f32 to vector<16xf32>
        %add3A_248 = arith.addf %add3A_247, %gather3A_241 : vector<16xf32>
        %mul3A_249 = arith.constant 2.000000e-01 : f32
        %mul3A_250 = vector.broadcast %mul3A_249 : f32 to vector<16xf32>
        %mul3A_251 = arith.mulf %mul3A_250, %add3A_248 : vector<16xf32>
        %max3A_252 = arith.maximumf %add3A_248, %mul3A_251 : vector<16xf32>
        %sub3A_253 = arith.subf %max3A_246, %max3A_252 : vector<16xf32>
        %exp3A_254 = math.exp %sub3A_253 : vector<16xf32>
        %swap3A_255 = arith.constant 0 : index
        %swap3A_256 = tpu.vector_load %arg12[%swap3A_255] {strides = array<i32>} : memref<80xf32, #tpu.memory_space<vmem>>, vector<16xf32>,
        tpu.vector_store %arg12[%swap3A_255], %exp3A_254 {strides = array<i32>} : memref<80xf32, #tpu.memory_space<vmem>>, vector<16xf32>,
        tpu.vector_store_idx %arg15[%get3A_239], %exp3A_254 {add = true} : memref<10000xf32, #tpu.memory_space<vmem>>[vector<16xi32>], vector<16xf32>,
        %get3A_257 = arith.constant 0 : i32
        %get3A_258 = arith.index_cast %get3A_257 : i32 to index
        %get3A_259 = arith.constant 16 : index
        %get3A_260 = tpu.vector_load %arg11[%get3A_258, %get3A_259] {strides = array<i32>} : memref<2x80xi32, #tpu.memory_space<vmem>>, vector<16xi32>,
        %get3A_261 = arith.constant 1 : i32
        %get3A_262 = arith.index_cast %get3A_261 : i32 to index
        %get3A_263 = arith.constant 16 : index
        %get3A_264 = tpu.vector_load %arg11[%get3A_262, %get3A_263] {strides = array<i32>} : memref<2x80xi32, #tpu.memory_space<vmem>>, vector<16xi32>,
        %gather3A_265 = tpu.vector_load_idx %arg8[%get3A_260] : memref<10000xf32, #tpu.memory_space<vmem>>[vector<16xi32>], vector<16xf32>,
        %gather3A_266 = tpu.vector_load_idx %arg9[%get3A_264] : memref<10000xf32, #tpu.memory_space<vmem>>[vector<16xi32>], vector<16xf32>,
        %add3A_267 = arith.addf %gather3A_265, %gather3A_266 : vector<16xf32>
        %mul3A_268 = arith.constant 2.000000e-01 : f32
        %mul3A_269 = vector.broadcast %mul3A_268 : f32 to vector<16xf32>
        %mul3A_270 = arith.mulf %mul3A_269, %add3A_267 : vector<16xf32>
        %max3A_271 = arith.maximumf %add3A_267, %mul3A_270 : vector<16xf32>
        %add3A_272 = vector.broadcast %reduce_max3A_25 : f32 to vector<16xf32>
        %add3A_273 = arith.addf %add3A_272, %gather3A_266 : vector<16xf32>
        %mul3A_274 = arith.constant 2.000000e-01 : f32
        %mul3A_275 = vector.broadcast %mul3A_274 : f32 to vector<16xf32>
        %mul3A_276 = arith.mulf %mul3A_275, %add3A_273 : vector<16xf32>
        %max3A_277 = arith.maximumf %add3A_273, %mul3A_276 : vector<16xf32>
        %sub3A_278 = arith.subf %max3A_271, %max3A_277 : vector<16xf32>
        %exp3A_279 = math.exp %sub3A_278 : vector<16xf32>
        %swap3A_280 = arith.constant 16 : index
        %swap3A_281 = tpu.vector_load %arg12[%swap3A_280] {strides = array<i32>} : memref<80xf32, #tpu.memory_space<vmem>>, vector<16xf32>,
        tpu.vector_store %arg12[%swap3A_280], %exp3A_279 {strides = array<i32>} : memref<80xf32, #tpu.memory_space<vmem>>, vector<16xf32>,
        tpu.vector_store_idx %arg15[%get3A_264], %exp3A_279 {add = true} : memref<10000xf32, #tpu.memory_space<vmem>>[vector<16xi32>], vector<16xf32>,
        %get3A_282 = arith.constant 0 : i32
        %get3A_283 = arith.index_cast %get3A_282 : i32 to index
        %get3A_284 = arith.constant 32 : index
        %get3A_285 = tpu.vector_load %arg11[%get3A_283, %get3A_284] {strides = array<i32>} : memref<2x80xi32, #tpu.memory_space<vmem>>, vector<16xi32>,
        %get3A_286 = arith.constant 1 : i32
        %get3A_287 = arith.index_cast %get3A_286 : i32 to index
        %get3A_288 = arith.constant 32 : index
        %get3A_289 = tpu.vector_load %arg11[%get3A_287, %get3A_288] {strides = array<i32>} : memref<2x80xi32, #tpu.memory_space<vmem>>, vector<16xi32>,
        %gather3A_290 = tpu.vector_load_idx %arg8[%get3A_285] : memref<10000xf32, #tpu.memory_space<vmem>>[vector<16xi32>], vector<16xf32>,
        %gather3A_291 = tpu.vector_load_idx %arg9[%get3A_289] : memref<10000xf32, #tpu.memory_space<vmem>>[vector<16xi32>], vector<16xf32>,
        %add3A_292 = arith.addf %gather3A_290, %gather3A_291 : vector<16xf32>
        %mul3A_293 = arith.constant 2.000000e-01 : f32
        %mul3A_294 = vector.broadcast %mul3A_293 : f32 to vector<16xf32>
        %mul3A_295 = arith.mulf %mul3A_294, %add3A_292 : vector<16xf32>
        %max3A_296 = arith.maximumf %add3A_292, %mul3A_295 : vector<16xf32>
        %add3A_297 = vector.broadcast %reduce_max3A_25 : f32 to vector<16xf32>
        %add3A_298 = arith.addf %add3A_297, %gather3A_291 : vector<16xf32>
        %mul3A_299 = arith.constant 2.000000e-01 : f32
        %mul3A_300 = vector.broadcast %mul3A_299 : f32 to vector<16xf32>
        %mul3A_301 = arith.mulf %mul3A_300, %add3A_298 : vector<16xf32>
        %max3A_302 = arith.maximumf %add3A_298, %mul3A_301 : vector<16xf32>
        %sub3A_303 = arith.subf %max3A_296, %max3A_302 : vector<16xf32>
        %exp3A_304 = math.exp %sub3A_303 : vector<16xf32>
        %swap3A_305 = arith.constant 32 : index
        %swap3A_306 = tpu.vector_load %arg12[%swap3A_305] {strides = array<i32>} : memref<80xf32, #tpu.memory_space<vmem>>, vector<16xf32>,
        tpu.vector_store %arg12[%swap3A_305], %exp3A_304 {strides = array<i32>} : memref<80xf32, #tpu.memory_space<vmem>>, vector<16xf32>,
        tpu.vector_store_idx %arg15[%get3A_289], %exp3A_304 {add = true} : memref<10000xf32, #tpu.memory_space<vmem>>[vector<16xi32>], vector<16xf32>,
        %get3A_307 = arith.constant 0 : i32
        %get3A_308 = arith.index_cast %get3A_307 : i32 to index
        %get3A_309 = arith.constant 48 : index
        %get3A_310 = tpu.vector_load %arg11[%get3A_308, %get3A_309] {strides = array<i32>} : memref<2x80xi32, #tpu.memory_space<vmem>>, vector<16xi32>,
        %get3A_311 = arith.constant 1 : i32
        %get3A_312 = arith.index_cast %get3A_311 : i32 to index
        %get3A_313 = arith.constant 48 : index
        %get3A_314 = tpu.vector_load %arg11[%get3A_312, %get3A_313] {strides = array<i32>} : memref<2x80xi32, #tpu.memory_space<vmem>>, vector<16xi32>,
        %gather3A_315 = tpu.vector_load_idx %arg8[%get3A_310] : memref<10000xf32, #tpu.memory_space<vmem>>[vector<16xi32>], vector<16xf32>,
        %gather3A_316 = tpu.vector_load_idx %arg9[%get3A_314] : memref<10000xf32, #tpu.memory_space<vmem>>[vector<16xi32>], vector<16xf32>,
        %add3A_317 = arith.addf %gather3A_315, %gather3A_316 : vector<16xf32>
        %mul3A_318 = arith.constant 2.000000e-01 : f32
        %mul3A_319 = vector.broadcast %mul3A_318 : f32 to vector<16xf32>
        %mul3A_320 = arith.mulf %mul3A_319, %add3A_317 : vector<16xf32>
        %max3A_321 = arith.maximumf %add3A_317, %mul3A_320 : vector<16xf32>
        %add3A_322 = vector.broadcast %reduce_max3A_25 : f32 to vector<16xf32>
        %add3A_323 = arith.addf %add3A_322, %gather3A_316 : vector<16xf32>
        %mul3A_324 = arith.constant 2.000000e-01 : f32
        %mul3A_325 = vector.broadcast %mul3A_324 : f32 to vector<16xf32>
        %mul3A_326 = arith.mulf %mul3A_325, %add3A_323 : vector<16xf32>
        %max3A_327 = arith.maximumf %add3A_323, %mul3A_326 : vector<16xf32>
        %sub3A_328 = arith.subf %max3A_321, %max3A_327 : vector<16xf32>
        %exp3A_329 = math.exp %sub3A_328 : vector<16xf32>
        %swap3A_330 = arith.constant 48 : index
        %swap3A_331 = tpu.vector_load %arg12[%swap3A_330] {strides = array<i32>} : memref<80xf32, #tpu.memory_space<vmem>>, vector<16xf32>,
        tpu.vector_store %arg12[%swap3A_330], %exp3A_329 {strides = array<i32>} : memref<80xf32, #tpu.memory_space<vmem>>, vector<16xf32>,
        tpu.vector_store_idx %arg15[%get3A_314], %exp3A_329 {add = true} : memref<10000xf32, #tpu.memory_space<vmem>>[vector<16xi32>], vector<16xf32>,
        %get3A_332 = arith.constant 0 : i32
        %get3A_333 = arith.index_cast %get3A_332 : i32 to index
        %get3A_334 = arith.constant 64 : index
        %get3A_335 = tpu.vector_load %arg11[%get3A_333, %get3A_334] {strides = array<i32>} : memref<2x80xi32, #tpu.memory_space<vmem>>, vector<16xi32>,
        %get3A_336 = arith.constant 1 : i32
        %get3A_337 = arith.index_cast %get3A_336 : i32 to index
        %get3A_338 = arith.constant 64 : index
        %get3A_339 = tpu.vector_load %arg11[%get3A_337, %get3A_338] {strides = array<i32>} : memref<2x80xi32, #tpu.memory_space<vmem>>, vector<16xi32>,
        %gather3A_340 = tpu.vector_load_idx %arg8[%get3A_335] : memref<10000xf32, #tpu.memory_space<vmem>>[vector<16xi32>], vector<16xf32>,
        %gather3A_341 = tpu.vector_load_idx %arg9[%get3A_339] : memref<10000xf32, #tpu.memory_space<vmem>>[vector<16xi32>], vector<16xf32>,
        %add3A_342 = arith.addf %gather3A_340, %gather3A_341 : vector<16xf32>
        %mul3A_343 = arith.constant 2.000000e-01 : f32
        %mul3A_344 = vector.broadcast %mul3A_343 : f32 to vector<16xf32>
        %mul3A_345 = arith.mulf %mul3A_344, %add3A_342 : vector<16xf32>
        %max3A_346 = arith.maximumf %add3A_342, %mul3A_345 : vector<16xf32>
        %add3A_347 = vector.broadcast %reduce_max3A_25 : f32 to vector<16xf32>
        %add3A_348 = arith.addf %add3A_347, %gather3A_341 : vector<16xf32>
        %mul3A_349 = arith.constant 2.000000e-01 : f32
        %mul3A_350 = vector.broadcast %mul3A_349 : f32 to vector<16xf32>
        %mul3A_351 = arith.mulf %mul3A_350, %add3A_348 : vector<16xf32>
        %max3A_352 = arith.maximumf %add3A_348, %mul3A_351 : vector<16xf32>
        %sub3A_353 = arith.subf %max3A_346, %max3A_352 : vector<16xf32>
        %exp3A_354 = math.exp %sub3A_353 : vector<16xf32>
        %swap3A_355 = arith.constant 64 : index
        %swap3A_356 = tpu.vector_load %arg12[%swap3A_355] {strides = array<i32>} : memref<80xf32, #tpu.memory_space<vmem>>, vector<16xf32>,
        tpu.vector_store %arg12[%swap3A_355], %exp3A_354 {strides = array<i32>} : memref<80xf32, #tpu.memory_space<vmem>>, vector<16xf32>,
        tpu.vector_store_idx %arg15[%get3A_339], %exp3A_354 {add = true} : memref<10000xf32, #tpu.memory_space<vmem>>[vector<16xi32>], vector<16xf32>,
        %dma_wait3A_357 = arith.constant 0 : i32
        %dma_wait3A_358 = arith.constant 0 : i32
        %dma_wait3A_359 = tpu.memref_slice %arg11[%dma_wait3A_357, %dma_wait3A_358] : memref<2x80xi32, #tpu.memory_space<vmem>> -> memref<1x80xi32, #tpu.memory_space<vmem>>
        %dma_wait3A_360 = tpu.memref_squeeze %dma_wait3A_359 : memref<1x80xi32, #tpu.memory_space<vmem>> -> memref<80xi32, #tpu.memory_space<vmem>>
        %dma_wait3A_361 = arith.constant 0 : i32
        %dma_wait3A_362 = arith.constant 0 : i32
        %dma_wait3A_363 = tpu.memref_slice %arg2[%dma_wait3A_361, %dma_wait3A_362] : memref<10000x128xf32, #tpu.memory_space<hbm>> -> memref<10000x128xf32, #tpu.memory_space<hbm>>
        tpu.wait_indirect_dma semaphore(%arg18 : memref<!tpu.dma_semaphore, #tpu.memory_space<semaphore_mem>>) src(%dma_wait3A_363 : memref<10000x128xf32, #tpu.memory_space<hbm>>) dst(%arg14 : memref<80x128xf32, #tpu.memory_space<vmem>>)
        %parallel_loop3A_364 = arith.constant 0 : i32
        %parallel_loop3A_365 = arith.constant 80 : i32
        %parallel_loop3A_366 = arith.constant 1 : i32
        scf.for %parallel_loop3A_368 = %parallel_loop3A_364 to %parallel_loop3A_365 step %parallel_loop3A_366  : i32 {
          %parallel_loop3A_369 = vector.broadcast %parallel_loop3A_368 : i32 to vector<16xi32>
          %parallel_loop3A_370 = tpu.vector_load_idx %arg12[%parallel_loop3A_369] : memref<80xf32, #tpu.memory_space<vmem>>[vector<16xi32>], vector<16xf32>,
          %parallel_loop3A_371 = arith.index_cast %parallel_loop3A_368 : i32 to index
          %parallel_loop3A_372 = arith.constant 0 : index
          %parallel_loop3A_373 = tpu.vector_load %arg14[%parallel_loop3A_371, %parallel_loop3A_372] {strides = array<i32>} : memref<80x128xf32, #tpu.memory_space<vmem>>, vector<16xf32>,
          %parallel_loop3A_374 = arith.mulf %parallel_loop3A_373, %parallel_loop3A_370 : vector<16xf32>
          %parallel_loop3A_375 = arith.index_cast %parallel_loop3A_368 : i32 to index
          %parallel_loop3A_376 = arith.constant 0 : index
          %parallel_loop3A_377 = tpu.vector_load %arg14[%parallel_loop3A_375, %parallel_loop3A_376] {strides = array<i32>} : memref<80x128xf32, #tpu.memory_space<vmem>>, vector<16xf32>,
          tpu.vector_store %arg14[%parallel_loop3A_375, %parallel_loop3A_376], %parallel_loop3A_374 {strides = array<i32>} : memref<80x128xf32, #tpu.memory_space<vmem>>, vector<16xf32>,
          %parallel_loop3A_378 = arith.index_cast %parallel_loop3A_368 : i32 to index
          %parallel_loop3A_379 = arith.constant 16 : index
          %parallel_loop3A_380 = tpu.vector_load %arg14[%parallel_loop3A_378, %parallel_loop3A_379] {strides = array<i32>} : memref<80x128xf32, #tpu.memory_space<vmem>>, vector<16xf32>,
          %parallel_loop3A_381 = arith.mulf %parallel_loop3A_380, %parallel_loop3A_370 : vector<16xf32>
          %parallel_loop3A_382 = arith.index_cast %parallel_loop3A_368 : i32 to index
          %parallel_loop3A_383 = arith.constant 16 : index
          %parallel_loop3A_384 = tpu.vector_load %arg14[%parallel_loop3A_382, %parallel_loop3A_383] {strides = array<i32>} : memref<80x128xf32, #tpu.memory_space<vmem>>, vector<16xf32>,
          tpu.vector_store %arg14[%parallel_loop3A_382, %parallel_loop3A_383], %parallel_loop3A_381 {strides = array<i32>} : memref<80x128xf32, #tpu.memory_space<vmem>>, vector<16xf32>,
          %parallel_loop3A_385 = arith.index_cast %parallel_loop3A_368 : i32 to index
          %parallel_loop3A_386 = arith.constant 32 : index
          %parallel_loop3A_387 = tpu.vector_load %arg14[%parallel_loop3A_385, %parallel_loop3A_386] {strides = array<i32>} : memref<80x128xf32, #tpu.memory_space<vmem>>, vector<16xf32>,
          %parallel_loop3A_388 = arith.mulf %parallel_loop3A_387, %parallel_loop3A_370 : vector<16xf32>
          %parallel_loop3A_389 = arith.index_cast %parallel_loop3A_368 : i32 to index
          %parallel_loop3A_390 = arith.constant 32 : index
          %parallel_loop3A_391 = tpu.vector_load %arg14[%parallel_loop3A_389, %parallel_loop3A_390] {strides = array<i32>} : memref<80x128xf32, #tpu.memory_space<vmem>>, vector<16xf32>,
          tpu.vector_store %arg14[%parallel_loop3A_389, %parallel_loop3A_390], %parallel_loop3A_388 {strides = array<i32>} : memref<80x128xf32, #tpu.memory_space<vmem>>, vector<16xf32>,
          %parallel_loop3A_392 = arith.index_cast %parallel_loop3A_368 : i32 to index
          %parallel_loop3A_393 = arith.constant 48 : index
          %parallel_loop3A_394 = tpu.vector_load %arg14[%parallel_loop3A_392, %parallel_loop3A_393] {strides = array<i32>} : memref<80x128xf32, #tpu.memory_space<vmem>>, vector<16xf32>,
          %parallel_loop3A_395 = arith.mulf %parallel_loop3A_394, %parallel_loop3A_370 : vector<16xf32>
          %parallel_loop3A_396 = arith.index_cast %parallel_loop3A_368 : i32 to index
          %parallel_loop3A_397 = arith.constant 48 : index
          %parallel_loop3A_398 = tpu.vector_load %arg14[%parallel_loop3A_396, %parallel_loop3A_397] {strides = array<i32>} : memref<80x128xf32, #tpu.memory_space<vmem>>, vector<16xf32>,
          tpu.vector_store %arg14[%parallel_loop3A_396, %parallel_loop3A_397], %parallel_loop3A_395 {strides = array<i32>} : memref<80x128xf32, #tpu.memory_space<vmem>>, vector<16xf32>,
          %parallel_loop3A_399 = arith.index_cast %parallel_loop3A_368 : i32 to index
          %parallel_loop3A_400 = arith.constant 64 : index
          %parallel_loop3A_401 = tpu.vector_load %arg14[%parallel_loop3A_399, %parallel_loop3A_400] {strides = array<i32>} : memref<80x128xf32, #tpu.memory_space<vmem>>, vector<16xf32>,
          %parallel_loop3A_402 = arith.mulf %parallel_loop3A_401, %parallel_loop3A_370 : vector<16xf32>
          %parallel_loop3A_403 = arith.index_cast %parallel_loop3A_368 : i32 to index
          %parallel_loop3A_404 = arith.constant 64 : index
          %parallel_loop3A_405 = tpu.vector_load %arg14[%parallel_loop3A_403, %parallel_loop3A_404] {strides = array<i32>} : memref<80x128xf32, #tpu.memory_space<vmem>>, vector<16xf32>,
          tpu.vector_store %arg14[%parallel_loop3A_403, %parallel_loop3A_404], %parallel_loop3A_402 {strides = array<i32>} : memref<80x128xf32, #tpu.memory_space<vmem>>, vector<16xf32>,
          %parallel_loop3A_406 = arith.index_cast %parallel_loop3A_368 : i32 to index
          %parallel_loop3A_407 = arith.constant 80 : index
          %parallel_loop3A_408 = tpu.vector_load %arg14[%parallel_loop3A_406, %parallel_loop3A_407] {strides = array<i32>} : memref<80x128xf32, #tpu.memory_space<vmem>>, vector<16xf32>,
          %parallel_loop3A_409 = arith.mulf %parallel_loop3A_408, %parallel_loop3A_370 : vector<16xf32>
          %parallel_loop3A_410 = arith.index_cast %parallel_loop3A_368 : i32 to index
          %parallel_loop3A_411 = arith.constant 80 : index
          %parallel_loop3A_412 = tpu.vector_load %arg14[%parallel_loop3A_410, %parallel_loop3A_411] {strides = array<i32>} : memref<80x128xf32, #tpu.memory_space<vmem>>, vector<16xf32>,
          tpu.vector_store %arg14[%parallel_loop3A_410, %parallel_loop3A_411], %parallel_loop3A_409 {strides = array<i32>} : memref<80x128xf32, #tpu.memory_space<vmem>>, vector<16xf32>,
          %parallel_loop3A_413 = arith.index_cast %parallel_loop3A_368 : i32 to index
          %parallel_loop3A_414 = arith.constant 96 : index
          %parallel_loop3A_415 = tpu.vector_load %arg14[%parallel_loop3A_413, %parallel_loop3A_414] {strides = array<i32>} : memref<80x128xf32, #tpu.memory_space<vmem>>, vector<16xf32>,
          %parallel_loop3A_416 = arith.mulf %parallel_loop3A_415, %parallel_loop3A_370 : vector<16xf32>
          %parallel_loop3A_417 = arith.index_cast %parallel_loop3A_368 : i32 to index
          %parallel_loop3A_418 = arith.constant 96 : index
          %parallel_loop3A_419 = tpu.vector_load %arg14[%parallel_loop3A_417, %parallel_loop3A_418] {strides = array<i32>} : memref<80x128xf32, #tpu.memory_space<vmem>>, vector<16xf32>,
          tpu.vector_store %arg14[%parallel_loop3A_417, %parallel_loop3A_418], %parallel_loop3A_416 {strides = array<i32>} : memref<80x128xf32, #tpu.memory_space<vmem>>, vector<16xf32>,
          %parallel_loop3A_420 = arith.index_cast %parallel_loop3A_368 : i32 to index
          %parallel_loop3A_421 = arith.constant 112 : index
          %parallel_loop3A_422 = tpu.vector_load %arg14[%parallel_loop3A_420, %parallel_loop3A_421] {strides = array<i32>} : memref<80x128xf32, #tpu.memory_space<vmem>>, vector<16xf32>,
          %parallel_loop3A_423 = arith.mulf %parallel_loop3A_422, %parallel_loop3A_370 : vector<16xf32>
          %parallel_loop3A_424 = arith.index_cast %parallel_loop3A_368 : i32 to index
          %parallel_loop3A_425 = arith.constant 112 : index
          %parallel_loop3A_426 = tpu.vector_load %arg14[%parallel_loop3A_424, %parallel_loop3A_425] {strides = array<i32>} : memref<80x128xf32, #tpu.memory_space<vmem>>, vector<16xf32>,
          tpu.vector_store %arg14[%parallel_loop3A_424, %parallel_loop3A_425], %parallel_loop3A_423 {strides = array<i32>} : memref<80x128xf32, #tpu.memory_space<vmem>>, vector<16xf32>,
        } {sc.loop_unroll_factor = 8 : i64, sc.parallel_access}
        %run_scoped3A_367 = arith.constant 1 : i32
        "tpu.region"() ({
          %run_scoped3A_368 = tpu.sem_alloc : memref<!tpu.dma_semaphore, #tpu.memory_space<semaphore_mem>>
          %dma_start3A_369 = arith.constant 0 : i32
          %dma_start3A_370 = tpu.memref_slice %arg11[%run_scoped3A_367, %dma_start3A_369] : memref<2x80xi32, #tpu.memory_space<vmem>> -> memref<1x80xi32, #tpu.memory_space<vmem>>
          %dma_start3A_371 = tpu.memref_squeeze %dma_start3A_370 : memref<1x80xi32, #tpu.memory_space<vmem>> -> memref<80xi32, #tpu.memory_space<vmem>>
          %dma_start3A_372 = arith.constant 0 : i32
          %dma_start3A_373 = arith.constant 0 : i32
          %dma_start3A_374 = tpu.memref_slice %arg16[%dma_start3A_372, %dma_start3A_373] : memref<10000x128xf32, #tpu.memory_space<vmem_shared>> -> memref<10000x128xf32, #tpu.memory_space<vmem_shared>>
          tpu.enqueue_indirect_dma source(%arg14 : memref<80x128xf32, #tpu.memory_space<vmem>>) target(%dma_start3A_374 : memref<10000x128xf32, #tpu.memory_space<vmem_shared>>) offsets(%dma_start3A_371 : memref<80xi32, #tpu.memory_space<vmem>>) semaphore(%run_scoped3A_368 : memref<!tpu.dma_semaphore, #tpu.memory_space<semaphore_mem>>) {add = true}
          %dma_wait3A_375 = arith.constant 0 : i32
          %dma_wait3A_376 = tpu.memref_slice %arg11[%run_scoped3A_367, %dma_wait3A_375] : memref<2x80xi32, #tpu.memory_space<vmem>> -> memref<1x80xi32, #tpu.memory_space<vmem>>
          %dma_wait3A_377 = tpu.memref_squeeze %dma_wait3A_376 : memref<1x80xi32, #tpu.memory_space<vmem>> -> memref<80xi32, #tpu.memory_space<vmem>>
          %dma_wait3A_378 = arith.constant 0 : i32
          %dma_wait3A_379 = arith.constant 0 : i32
          %dma_wait3A_380 = tpu.memref_slice %arg16[%dma_wait3A_378, %dma_wait3A_379] : memref<10000x128xf32, #tpu.memory_space<vmem_shared>> -> memref<10000x128xf32, #tpu.memory_space<vmem_shared>>
          tpu.wait_indirect_dma semaphore(%run_scoped3A_368 : memref<!tpu.dma_semaphore, #tpu.memory_space<semaphore_mem>>) src(%arg14 : memref<80x128xf32, #tpu.memory_space<vmem>>) dst(%dma_wait3A_380 : memref<10000x128xf32, #tpu.memory_space<vmem_shared>>)
          tpu.yield
        }) : () -> ()
      } else {
      }
    }
    %scan3A_40 = arith.constant 63 : i32
    %barrier3A_41 = arith.constant 0 : index
    tpu.barrier barrier_id(%barrier3A_41)
    %mul3A_42 = arith.constant 624 : i32
    %mul3A_43 = arith.muli %arg1, %mul3A_42 : i32
    %mul3A_44 = arith.constant 624 : i32
    %mul3A_45 = arith.muli %arg1, %mul3A_44 : i32
    %dma_start3A_46 = arith.constant 0 : i32
    %dma_start3A_47 = tpu.memref_slice %arg6[%arg0, %mul3A_45, %dma_start3A_46] : memref<2x10000x128xf32, #tpu.memory_space<hbm>> -> memref<1x624x128xf32, #tpu.memory_space<hbm>>
    %dma_start3A_48 = tpu.memref_squeeze %dma_start3A_47 : memref<1x624x128xf32, #tpu.memory_space<hbm>> -> memref<624x128xf32, #tpu.memory_space<hbm>>
    %dma_start3A_49 = arith.constant 0 : i32
    %dma_start3A_50 = tpu.memref_slice %arg16[%mul3A_43, %dma_start3A_49] : memref<10000x128xf32, #tpu.memory_space<vmem_shared>> -> memref<624x128xf32, #tpu.memory_space<vmem_shared>>
    tpu.enqueue_dma source(%dma_start3A_50 : memref<624x128xf32, #tpu.memory_space<vmem_shared>>) target(%dma_start3A_48 : memref<624x128xf32, #tpu.memory_space<hbm>>) target_semaphore(%arg17 : memref<!tpu.dma_semaphore, #tpu.memory_space<semaphore_mem>>)
    %dma_start3A_51 = arith.constant 0 : i32
    %dma_start3A_52 = tpu.memref_slice %arg7[%arg0, %arg1, %dma_start3A_51] : memref<2x16x10000xf32, #tpu.memory_space<hbm>> -> memref<1x1x10000xf32, #tpu.memory_space<hbm>>
    %dma_start3A_53 = tpu.memref_squeeze %dma_start3A_52 : memref<1x1x10000xf32, #tpu.memory_space<hbm>> -> memref<10000xf32, #tpu.memory_space<hbm>>
    %dma_start3A_54 = arith.constant 0 : i32
    %dma_start3A_55 = tpu.memref_slice %arg7[%arg0, %arg1, %dma_start3A_54] : memref<2x16x10000xf32, #tpu.memory_space<hbm>> -> memref<1x1x10000xf32, #tpu.memory_space<hbm>>
    %dma_start3A_56 = tpu.memref_squeeze %dma_start3A_55 : memref<1x1x10000xf32, #tpu.memory_space<hbm>> -> memref<10000xf32, #tpu.memory_space<hbm>>
    tpu.enqueue_dma source(%arg15 : memref<10000xf32, #tpu.memory_space<vmem>>) target(%dma_start3A_56 : memref<10000xf32, #tpu.memory_space<hbm>>) target_semaphore(%arg18 : memref<!tpu.dma_semaphore, #tpu.memory_space<semaphore_mem>>)
    %eq3A_57 = arith.constant 15 : i32
    %eq3A_58 = arith.cmpi eq, %arg1, %eq3A_57 : i32
    %convert_element_type3A_59 = arith.extui %eq3A_58 : i1 to i32
    %cond3A_60 = arith.constant 0 : i32
    %cond3A_61 = arith.cmpi ne, %convert_element_type3A_59, %cond3A_60 : i32
    scf.if %cond3A_61 {
      "tpu.region"() ({
        %run_scoped3A = tpu.sem_alloc : memref<!tpu.dma_semaphore, #tpu.memory_space<semaphore_mem>>
        %dma_start3A_76 = arith.constant 9984 : i32
        %dma_start3A_77 = arith.constant 0 : i32
        %dma_start3A_78 = tpu.memref_slice %arg6[%arg0, %dma_start3A_76, %dma_start3A_77] : memref<2x10000x128xf32, #tpu.memory_space<hbm>> -> memref<1x16x128xf32, #tpu.memory_space<hbm>>
        %dma_start3A_79 = tpu.memref_squeeze %dma_start3A_78 : memref<1x16x128xf32, #tpu.memory_space<hbm>> -> memref<16x128xf32, #tpu.memory_space<hbm>>
        %dma_start3A_80 = arith.constant 9984 : i32
        %dma_start3A_81 = arith.constant 0 : i32
        %dma_start3A_82 = tpu.memref_slice %arg16[%dma_start3A_80, %dma_start3A_81] : memref<10000x128xf32, #tpu.memory_space<vmem_shared>> -> memref<16x128xf32, #tpu.memory_space<vmem_shared>>
        tpu.enqueue_dma source(%dma_start3A_82 : memref<16x128xf32, #tpu.memory_space<vmem_shared>>) target(%dma_start3A_79 : memref<16x128xf32, #tpu.memory_space<hbm>>) target_semaphore(%run_scoped3A : memref<!tpu.dma_semaphore, #tpu.memory_space<semaphore_mem>>)
        %dma_wait3A_83 = arith.constant 9984 : i32
        %dma_wait3A_84 = arith.constant 0 : i32
        %dma_wait3A_85 = tpu.memref_slice %arg6[%arg0, %dma_wait3A_83, %dma_wait3A_84] : memref<2x10000x128xf32, #tpu.memory_space<hbm>> -> memref<1x16x128xf32, #tpu.memory_space<hbm>>
        %dma_wait3A_86 = tpu.memref_squeeze %dma_wait3A_85 : memref<1x16x128xf32, #tpu.memory_space<hbm>> -> memref<16x128xf32, #tpu.memory_space<hbm>>
        %dma_wait3A_87 = arith.constant 9984 : i32
        %dma_wait3A_88 = arith.constant 0 : i32
        %dma_wait3A_89 = tpu.memref_slice %arg16[%dma_wait3A_87, %dma_wait3A_88] : memref<10000x128xf32, #tpu.memory_space<vmem_shared>> -> memref<16x128xf32, #tpu.memory_space<vmem_shared>>
        tpu.wait_dma2 semaphore(%run_scoped3A : memref<!tpu.dma_semaphore, #tpu.memory_space<semaphore_mem>>) src(%dma_wait3A_89 : memref<16x128xf32, #tpu.memory_space<vmem_shared>>) dst(%dma_wait3A_86 : memref<16x128xf32, #tpu.memory_space<hbm>>)
        tpu.yield
      }) : () -> ()
    } else {
    }
    %mul3A_62 = arith.constant 624 : i32
    %mul3A_63 = arith.muli %arg1, %mul3A_62 : i32
    %mul3A_64 = arith.constant 624 : i32
    %mul3A_65 = arith.muli %arg1, %mul3A_64 : i32
    %dma_wait3A = arith.constant 0 : i32
    %dma_wait3A_66 = tpu.memref_slice %arg6[%arg0, %mul3A_65, %dma_wait3A] : memref<2x10000x128xf32, #tpu.memory_space<hbm>> -> memref<1x624x128xf32, #tpu.memory_space<hbm>>
    %dma_wait3A_67 = tpu.memref_squeeze %dma_wait3A_66 : memref<1x624x128xf32, #tpu.memory_space<hbm>> -> memref<624x128xf32, #tpu.memory_space<hbm>>
    %dma_wait3A_68 = arith.constant 0 : i32
    %dma_wait3A_69 = tpu.memref_slice %arg16[%mul3A_63, %dma_wait3A_68] : memref<10000x128xf32, #tpu.memory_space<vmem_shared>> -> memref<624x128xf32, #tpu.memory_space<vmem_shared>>
    tpu.wait_dma2 semaphore(%arg17 : memref<!tpu.dma_semaphore, #tpu.memory_space<semaphore_mem>>) src(%dma_wait3A_69 : memref<624x128xf32, #tpu.memory_space<vmem_shared>>) dst(%dma_wait3A_67 : memref<624x128xf32, #tpu.memory_space<hbm>>)
    %dma_wait3A_70 = arith.constant 0 : i32
    %dma_wait3A_71 = tpu.memref_slice %arg7[%arg0, %arg1, %dma_wait3A_70] : memref<2x16x10000xf32, #tpu.memory_space<hbm>> -> memref<1x1x10000xf32, #tpu.memory_space<hbm>>
    %dma_wait3A_72 = tpu.memref_squeeze %dma_wait3A_71 : memref<1x1x10000xf32, #tpu.memory_space<hbm>> -> memref<10000xf32, #tpu.memory_space<hbm>>
    %dma_wait3A_73 = arith.constant 0 : i32
    %dma_wait3A_74 = tpu.memref_slice %arg7[%arg0, %arg1, %dma_wait3A_73] : memref<2x16x10000xf32, #tpu.memory_space<hbm>> -> memref<1x1x10000xf32, #tpu.memory_space<hbm>>
    %dma_wait3A_75 = tpu.memref_squeeze %dma_wait3A_74 : memref<1x1x10000xf32, #tpu.memory_space<hbm>> -> memref<10000xf32, #tpu.memory_space<hbm>>
    tpu.wait_dma2 semaphore(%arg18 : memref<!tpu.dma_semaphore, #tpu.memory_space<semaphore_mem>>) src(%arg15 : memref<10000xf32, #tpu.memory_space<vmem>>) dst(%dma_wait3A_75 : memref<10000xf32, #tpu.memory_space<hbm>>)
    return
  }
}

module attributes {stable_mosaic.version = 14 : i64} {
  func.func @_proj_body(%arg0: i32, %arg1: memref<400x128xf32, #tpu.memory_space<vmem>>, %arg2: memref<128x128xf32, #tpu.memory_space<vmem>>, %arg3: memref<128x1xf32, #tpu.memory_space<vmem>>, %arg4: memref<128x1xf32, #tpu.memory_space<vmem>>, %arg5: memref<400x128xf32, #tpu.memory_space<vmem>>, %arg6: memref<400x1xf32, #tpu.memory_space<vmem>>, %arg7: memref<400x1xf32, #tpu.memory_space<vmem>>) attributes {dimension_semantics = [#tpu.dimension_semantics<arbitrary>], iteration_bounds = array<i64: 25>, scalar_prefetch = 0 : i64, scratch_operands = 0 : i64, tpu.core_type = #tpu.core_type<tc>, window_params = [{transform_indices = @transform_0, window_bounds = array<i64: 400, 128>}, {pipeline_mode = #tpu.pipeline_mode<synchronous>, transform_indices = @transform_1, window_bounds = array<i64: 128, 128>}, {pipeline_mode = #tpu.pipeline_mode<synchronous>, transform_indices = @transform_2, window_bounds = array<i64: 128, 1>}, {pipeline_mode = #tpu.pipeline_mode<synchronous>, transform_indices = @transform_3, window_bounds = array<i64: 128, 1>}, {transform_indices = @transform_4, window_bounds = array<i64: 400, 128>}, {transform_indices = @transform_5, window_bounds = array<i64: 400, 1>}, {transform_indices = @transform_6, window_bounds = array<i64: 400, 1>}]} {
    %get3A = arith.constant 0 : index
    %get3A_0 = arith.constant 0 : index
    %get3A_1 = vector.load %arg1[%get3A, %get3A_0] : memref<400x128xf32, #tpu.memory_space<vmem>>, vector<400x128xf32>
    %get3A_2 = arith.constant 0 : index
    %get3A_3 = arith.constant 0 : index
    %get3A_4 = vector.load %arg2[%get3A_2, %get3A_3] : memref<128x128xf32, #tpu.memory_space<vmem>>, vector<128x128xf32>
    %dot_general3A = arith.constant dense<0.000000e+00> : vector<400x128xf32>
    %dot_general3A_5 = tpu.matmul %get3A_1, %get3A_4, %dot_general3A {dimension_numbers = #tpu.dot_dimension_numbers<[1], [0], [0], [1], [0, 0, 1, 1], [], []>, transpose_lhs_hint = false} : vector<400x128xf32>, vector<128x128xf32>, vector<400x128xf32> -> vector<400x128xf32>
    %swap3A = arith.constant 0 : index
    %swap3A_6 = arith.constant 0 : index
    %swap3A_7 = vector.load %arg5[%swap3A, %swap3A_6] : memref<400x128xf32, #tpu.memory_space<vmem>>, vector<400x128xf32>
    tpu.vector_store %arg5[%swap3A, %swap3A_6], %dot_general3A_5 {strides = array<i32>} : memref<400x128xf32, #tpu.memory_space<vmem>>, vector<400x128xf32>,
    %get3A_8 = arith.constant 0 : index
    %get3A_9 = arith.constant 0 : index
    %get3A_10 = vector.load %arg3[%get3A_8, %get3A_9] : memref<128x1xf32, #tpu.memory_space<vmem>>, vector<128x1xf32>
    %dot_general3A_11 = arith.constant dense<0.000000e+00> : vector<400x1xf32>
    %dot_general3A_12 = tpu.matmul %dot_general3A_5, %get3A_10, %dot_general3A_11 {dimension_numbers = #tpu.dot_dimension_numbers<[1], [0], [0], [1], [0, 0, 1, 1], [], []>, transpose_lhs_hint = false} : vector<400x128xf32>, vector<128x1xf32>, vector<400x1xf32> -> vector<400x1xf32>
    %swap3A_13 = arith.constant 0 : index
    %swap3A_14 = arith.constant 0 : index
    %swap3A_15 = vector.load %arg6[%swap3A_13, %swap3A_14] : memref<400x1xf32, #tpu.memory_space<vmem>>, vector<400x1xf32>
    tpu.vector_store %arg6[%swap3A_13, %swap3A_14], %dot_general3A_12 {strides = array<i32>} : memref<400x1xf32, #tpu.memory_space<vmem>>, vector<400x1xf32>,
    %get3A_16 = arith.constant 0 : index
    %get3A_17 = arith.constant 0 : index
    %get3A_18 = vector.load %arg4[%get3A_16, %get3A_17] : memref<128x1xf32, #tpu.memory_space<vmem>>, vector<128x1xf32>
    %dot_general3A_19 = arith.constant dense<0.000000e+00> : vector<400x1xf32>
    %dot_general3A_20 = tpu.matmul %dot_general3A_5, %get3A_18, %dot_general3A_19 {dimension_numbers = #tpu.dot_dimension_numbers<[1], [0], [0], [1], [0, 0, 1, 1], [], []>, transpose_lhs_hint = false} : vector<400x128xf32>, vector<128x1xf32>, vector<400x1xf32> -> vector<400x1xf32>
    %swap3A_21 = arith.constant 0 : index
    %swap3A_22 = arith.constant 0 : index
    %swap3A_23 = vector.load %arg7[%swap3A_21, %swap3A_22] : memref<400x1xf32, #tpu.memory_space<vmem>>, vector<400x1xf32>
    tpu.vector_store %arg7[%swap3A_21, %swap3A_22], %dot_general3A_20 {strides = array<i32>} : memref<400x1xf32, #tpu.memory_space<vmem>>, vector<400x1xf32>,
    return
  }
  func.func @transform_0(%arg0: i32) -> (i32, i32) {
    %c0_i32 = arith.constant 0 : i32
    %c0_i32_0 = arith.constant 0 : i32
    return %arg0, %c0_i32 : i32, i32
  }
  func.func @transform_1(%arg0: i32) -> (i32, i32) {
    %c0_i32 = arith.constant 0 : i32
    %c0_i32_0 = arith.constant 0 : i32
    %c0_i32_1 = arith.constant 0 : i32
    return %c0_i32, %c0_i32_0 : i32, i32
  }
  func.func @transform_2(%arg0: i32) -> (i32, i32) {
    %c0_i32 = arith.constant 0 : i32
    %c0_i32_0 = arith.constant 0 : i32
    %c0_i32_1 = arith.constant 0 : i32
    return %c0_i32, %c0_i32_0 : i32, i32
  }
  func.func @transform_3(%arg0: i32) -> (i32, i32) {
    %c0_i32 = arith.constant 0 : i32
    %c0_i32_0 = arith.constant 0 : i32
    %c0_i32_1 = arith.constant 0 : i32
    return %c0_i32, %c0_i32_0 : i32, i32
  }
  func.func @transform_4(%arg0: i32) -> (i32, i32) {
    %c0_i32 = arith.constant 0 : i32
    %c0_i32_0 = arith.constant 0 : i32
    return %arg0, %c0_i32 : i32, i32
  }
  func.func @transform_5(%arg0: i32) -> (i32, i32) {
    %c0_i32 = arith.constant 0 : i32
    %c0_i32_0 = arith.constant 0 : i32
    return %arg0, %c0_i32 : i32, i32
  }
  func.func @transform_6(%arg0: i32) -> (i32, i32) {
    %c0_i32 = arith.constant 0 : i32
    %c0_i32_0 = arith.constant 0 : i32
    return %arg0, %c0_i32 : i32, i32
  }
}

module attributes {stable_mosaic.version = 14 : i64} {
  func.func @_combine_body(%arg0: memref<2x10000x128xf32, #tpu.memory_space<vmem>>, %arg1: memref<2x16x10000xf32, #tpu.memory_space<vmem>>, %arg2: memref<1x128xf32, #tpu.memory_space<vmem>>, %arg3: memref<10000x128xf32, #tpu.memory_space<vmem>>) attributes {dimension_semantics = [], scalar_prefetch = 0 : i64, scratch_operands = 0 : i64, tpu.core_type = #tpu.core_type<tc>} {
    %get3A = arith.constant 0 : index
    %get3A_0 = arith.constant 0 : index
    %get3A_1 = arith.constant 0 : index
    %get3A_2 = vector.load %arg0[%get3A, %get3A_0, %get3A_1] : memref<2x10000x128xf32, #tpu.memory_space<vmem>>, vector<1x10000x128xf32>
    %get3A_3 = vector.shape_cast %get3A_2 : vector<1x10000x128xf32> to vector<10000x128xf32>
    %get3A_4 = arith.constant 1 : index
    %get3A_5 = arith.constant 0 : index
    %get3A_6 = arith.constant 0 : index
    %get3A_7 = vector.load %arg0[%get3A_4, %get3A_5, %get3A_6] : memref<2x10000x128xf32, #tpu.memory_space<vmem>>, vector<1x10000x128xf32>
    %get3A_8 = vector.shape_cast %get3A_7 : vector<1x10000x128xf32> to vector<10000x128xf32>
    %add3A = arith.addf %get3A_3, %get3A_8 : vector<10000x128xf32>
    %get3A_9 = arith.constant 0 : index
    %get3A_10 = arith.constant 0 : index
    %get3A_11 = arith.constant 0 : index
    %get3A_12 = vector.load %arg1[%get3A_9, %get3A_10, %get3A_11] : memref<2x16x10000xf32, #tpu.memory_space<vmem>>, vector<2x16x10000xf32>
    %reduce_sum3A = arith.constant dense<0.000000e+00> : vector<10000xf32>
    %reduce_sum3A_13 = vector.multi_reduction <add>, %get3A_12, %reduce_sum3A [0, 1] : vector<2x16x10000xf32> to vector<10000xf32>
    %broadcast_in_dim3A = vector.shape_cast %reduce_sum3A_13 : vector<10000xf32> to vector<10000x1xf32>
    %add3A_14 = arith.constant 1.000000e-16 : f32
    %add3A_15 = vector.broadcast %add3A_14 : f32 to vector<10000x1xf32>
    %add3A_16 = arith.addf %broadcast_in_dim3A, %add3A_15 : vector<10000x1xf32>
    %div3A = vector.broadcast %add3A_16 : vector<10000x1xf32> to vector<10000x128xf32>
    %div3A_17 = arith.divf %add3A, %div3A : vector<10000x128xf32>
    %get3A_18 = arith.constant 0 : index
    %get3A_19 = arith.constant 0 : index
    %get3A_20 = vector.load %arg2[%get3A_18, %get3A_19] : memref<1x128xf32, #tpu.memory_space<vmem>>, vector<1x128xf32>
    %add3A_21 = vector.broadcast %get3A_20 : vector<1x128xf32> to vector<10000x128xf32>
    %add3A_22 = arith.addf %div3A_17, %add3A_21 : vector<10000x128xf32>
    %swap3A = arith.constant 0 : index
    %swap3A_23 = arith.constant 0 : index
    %swap3A_24 = vector.load %arg3[%swap3A, %swap3A_23] : memref<10000x128xf32, #tpu.memory_space<vmem>>, vector<10000x128xf32>
    tpu.vector_store %arg3[%swap3A, %swap3A_23], %add3A_22 {strides = array<i32>} : memref<10000x128xf32, #tpu.memory_space<vmem>>, vector<10000x128xf32>,
    return
  }
}

</mosaic_0001>

<sc_bundles>
// kernel: kernel.5.cloned.1.call-start
scs
__scs_entry_jumppad:
0x0: {  	(pc) =	sbr.rel $0x88, $3  }
0x1: {  	(tag) =	ssettag $0x0;
	lr =	simm.s32 $0x1  }
0x2: {  	[smem:$0x3F9B] =	sst lr;
	_ =	strace $0xD0000000  }
0x3: {  	_ = 	snop  }
0x4: {  	_ = 	snop  }
0x5: {  	_ = 	snop  }
0x6: {  	_ = 	snop  }
0x7: {  	_ = 	snop  }
__scs_overlays_trampoline_lowered:
0x8: {  	[smem:$0x3FAA] =	sst s0  }
0x9: {  	[smem:$0x3FAB] =	sst s1  }
0xa: {  	[smem:$0x3FAC] =	sst s2  }
0xb: {  	[smem:$0x3FAD] =	sst s3  }
0xc: {  	[smem:$0x3FAE] =	sst s4  }
0xd: {  	[smem:$0x3FAF] =	sst s5  }
0xe: {  	[smem:$0x3FB0] =	sst s6  }
0xf: {  	[smem:$0x3FB1] =	sst s7  }
0x10: {  	[smem:$0x3FB2] =	sst s8  }
0x11: {  	[smem:$0x3FB3] =	sst s9;
	s0 =	simm.s32 @!p0 $0x0  }
0x12: {  	s1 =	sld [smem:$0x3F99];
	s0 =	simm.s32 @p0 $0x1  }
0x13: {  	[smem:$0x3FB4] =	sst s0;
	s0 =	simm.s32 @!p1 $0x0  }
0x14: {  	s2 =	sld [smem:$0x3F98];
	s0 =	simm.s32 @p1 $0x1  }
0x15: {  	[smem:$0x3FB5] =	sst s0;
	s0 =	simm.s32 @!p2 $0x0  }
0x16: {  	s3 =	sld [smem:$0x3FDB];
	s0 =	simm.s32 @p2 $0x1  }
0x17: {  	s4 =	simm.s32 $0x1BF5;
	[smem:$0x3FB7] =	sst s0  }
0x18: {  	s0 =	sld [smem:$0x3F9A];
	_ =	swait.ge [sflag:s4], $0x0  }
0x19: {  	s7 =	sld [smem:$0x3F9B]  }
0x1a: {  	s8 =	sadd.s32 $0xFFFFE003, lr  }
0x1b: {  	s9 =	sadd.s32 $0xFFFFFEF7, lr;
	s5 =	simm.s32 $0xFFFFFFFF;
	p2 =	slt.u32 s8, $0xFFFFF086  }
0x1c: {  	p1 =	slt.u32 s9, $0xF7A;
	s5 =	simm.s32 @!p2 $0x0  }
0x1d: {  	s5 =	simm.s32 @p1 $0x1;
	p0 =	seq.s32 s7, s2  }
0x1e: {  	s7 =	smul.u32 @!p0 $0xF7A, s2;
	p2 =	seq.s32 @!p0 s5, $0x0  }
0x1f: {  	s9 =	smul.u32 $0xF7A, s1;
	s8 =	simm.s32 @!p0 $0x1BF5;
	p2 =	por !p2, p0  }
0x20: {  	[sflag:s8] =	ssyncset.s32 @!p0 $0xFFFFF086;
	s6 =	sadd.s32 @!p0 s3, s7;
	s7 =	simm.s32 @!p0 $0x108  }
0x21: {  	s3 =	sadd.s32 s3, s9;
	s6 =	sadd.s32 @!p0 $0x88, s6;
	s7 =	simm.s32 @p2 $0x1082  }
0x22: {  	[simem:s7], [sflag:s8] =	dma.local @!p0 [hbm:s6], $0xF7A  }
0x23: {  	s9 =	sor.u32 $0xD0000000, s2;
	s6 =	simm.s32 $0x108;
	_ =	swait.ge @!p0 [sflag:s8], $0x0  }
0x24: {  	s3 =	sadd.s32 $0x88, s3;
	s6 =	simm.s32 @!p1 $0x1082;
	[sflag:s4] =	ssyncset.s32 $0xFFFFF086  }
0x25: {  	[simem:s6], [sflag:s4] =	dma.local [hbm:s3], $0xF7A  }
0x26: {  	[smem:$0x3F9B] =	sst s1;
	(tag) =	ssettag s2;
	_ =	strace s9  }
0x27: {  	s1 =	sld [smem:$0x3FAB]  }
0x28: {  	s2 =	sld [smem:$0x3FAC]  }
0x29: {  	s4 =	sld [smem:$0x3FAE]  }
0x2a: {  	p0 =	seq.s32 s5, $0x0;
	s5 =	sld [smem:$0x3FAF]  }
0x2b: {  	s6 =	sld [smem:$0x3FB0]  }
0x2c: {  	s7 =	sld [smem:$0x3FB1]  }
0x2d: {  	s3 =	simm.s32 $0x108;
	s8 =	sld [smem:$0x3FB2]  }
0x2e: {  	s3 =	simm.s32 @!p0 $0x1082;
	s9 =	sld [smem:$0x3FB3]  }
0x2f: {  	lr =	sadd.s32 s0, s3;
	s0 =	sld [smem:$0x3FAA]  }
0x30: {  	s3 =	sld [smem:$0x3FAD]  }
0x31: {  	[smem:$0x3FB6] =	sst s10  }
0x32: {  	s10 =	sld [smem:$0x3FB4];
	_ =	sdelay $0x3  }
0x33: {  	p0 =	seq.s32 s10, $0x1;
	s10 =	sld [smem:$0x3FB6];
	_ =	sdelay $0x3  }
0x34: {  	[smem:$0x3FB6] =	sst s10  }
0x35: {  	s10 =	sld [smem:$0x3FB5];
	_ =	sdelay $0x3  }
0x36: {  	p1 =	seq.s32 s10, $0x1;
	s10 =	sld [smem:$0x3FB6];
	_ =	sdelay $0x3  }
0x37: {  	[smem:$0x3FB6] =	sst s10  }
0x38: {  	s10 =	sld [smem:$0x3FB7]  }
0x39: {  	_ = 	snop;
	(pc) =	sbr.ind lr, $3  }
0x3a: {  	_ = 	snop  }
0x3b: {  	_ = 	snop  }
0x3c: {  	p2 =	seq.s32 s10, $0x1;
	s10 =	sld [smem:$0x3FB6]  }
0x3d: {  	_ =	shalt  }
0x3e: {  	_ =	shalt  }
0x3f: {  	_ =	shalt  }
0x40: {  	_ =	shalt  }
0x41: {  	_ =	shalt  }
0x42: {  	_ =	shalt  }
0x43: {  	_ =	shalt  }
0x44: {  	_ =	shalt  }
0x45: {  	_ =	shalt  }
0x46: {  	_ =	shalt  }
0x47: {  	_ =	shalt  }
0x48: {  	_ =	shalt  }
0x49: {  	_ =	shalt  }
0x4a: {  	_ =	shalt  }
0x4b: {  	_ =	shalt  }
0x4c: {  	_ =	shalt  }
0x4d: {  	_ =	shalt  }
0x4e: {  	_ =	shalt  }
0x4f: {  	_ =	shalt  }
0x50: {  	_ =	shalt  }
0x51: {  	_ =	shalt  }
0x52: {  	_ =	shalt  }
0x53: {  	_ =	shalt  }
0x54: {  	_ =	shalt  }
0x55: {  	_ =	shalt  }
0x56: {  	_ =	shalt  }
0x57: {  	_ =	shalt  }
0x58: {  	_ =	shalt  }
0x59: {  	_ =	shalt  }
0x5a: {  	_ =	shalt  }
0x5b: {  	_ =	shalt  }
0x5c: {  	_ =	shalt  }
0x5d: {  	_ =	shalt  }
0x5e: {  	_ =	shalt  }
0x5f: {  	_ =	shalt  }
0x60: {  	_ =	shalt  }
0x61: {  	_ =	shalt  }
0x62: {  	_ =	shalt  }
0x63: {  	_ =	shalt  }
0x64: {  	_ =	shalt  }
0x65: {  	_ =	shalt  }
0x66: {  	_ =	shalt  }
0x67: {  	_ =	shalt  }
0x68: {  	_ =	shalt  }
0x69: {  	_ =	shalt  }
0x6a: {  	_ =	shalt  }
0x6b: {  	_ =	shalt  }
0x6c: {  	_ =	shalt  }
0x6d: {  	_ =	shalt  }
0x6e: {  	_ =	shalt  }
0x6f: {  	_ =	shalt  }
0x70: {  	_ =	shalt  }
0x71: {  	_ =	shalt  }
0x72: {  	_ =	shalt  }
0x73: {  	_ =	shalt  }
0x74: {  	_ =	shalt  }
0x75: {  	_ =	shalt  }
0x76: {  	_ =	shalt  }
0x77: {  	_ =	shalt  }
0x78: {  	_ =	shalt  }
0x79: {  	_ =	shalt  }
0x7a: {  	_ =	shalt  }
0x7b: {  	_ =	shalt  }
0x7c: {  	_ =	shalt  }
0x7d: {  	_ =	shalt  }
0x7e: {  	_ =	shalt  }
0x7f: {  	_ =	shalt  }
0x80: {  	_ =	shalt  }
0x81: {  	_ =	shalt  }
0x82: {  	_ =	shalt  }
0x83: {  	_ =	shalt  }
0x84: {  	_ =	shalt  }
0x85: {  	_ =	shalt  }
0x86: {  	_ =	shalt  }
0x87: {  	_ =	shalt  }
.Lfunc_end0:
.L_simem_size_0:
called_computation_lowered:
.L_overlay_start_0:
0x88: {  	s2 =	sld [smem:$0x3FD9]  }
0x89: {  	s3 =	sld [smem:$0x3FFE];
	_ =	sdelay $0x1  }
0x8a: {  	s1 =	srdreg.scid  }
0x8b: {  	s0 =	sand.u32 $0x1, s1  }
0x8c: {  	s17 =	sshll.u32 s0, $0xA;
	s2 =	sadd.s32 s3, s2  }
0x8d: {  	s2 =	sadd.s32 s2, s17  }
0x8e: {  	[smem:$0x3FC2] =	sst s2  }
0x8f: {  	_ = 	snop  }
0x90: {  	s2 =	sld [smem:$0x3FD0];
	(tm) =	ssettm $0x1  }
0x91: {  	s18 =	sld [smem:$0x3FFB];
	_ =	sdelay $0x3  }
0x92: {  	_ =	strace s18  }
0x93: {  	s3 =	sld [smem:$0x3FFC];
	_ =	sdelay $0x3  }
0x94: {  	_ =	strace s3  }
0x95: {  	s3 =	sld [smem:$0x3FFD];
	_ =	sdelay $0x3  }
0x96: {  	_ =	strace s3  }
0x97: {  	_ =	strace $0x8FFFFFFF  }
0x98: {  	s19 =	sld [smem:$0x3FDB];
	_ =	sdelay $0x1  }
0x99: {  	s4 =	simm.s32 $_scs_section_size  }
0x9a: {  	s5 =	simm.s32 $_size__tile_overlayer_lowered;
	s6 =	simm.s32 $_tile_overlayer_lowered  }
0x9b: {  	s22 =	simm.s32 $0x1BFF;
	s21 =	sshll.u32 s6, $0x1;
	s3 =	sadd.s32 s4, s19  }
0x9c: {  	s7 =	simm.s32 $0x0;
	s20 =	sshll.u32 s5, $0x1;
	s5 =	sadd.s32 s21, s3  }
0x9d: {  	[timem:s7], [sflag:s22] =	dma.local [hbm:s5], s20  }
0x9e: {  	_ =	swait.ge [sflag:s22], s20  }
0x9f: {  	s4 =	ssub.s32 $0x0, s20;
	[sflag:s22] =	ssyncset.done $0x0  }
0xa0: {  	[sflag:s22] =	ssyncadd.s32 s4;
	_ =	sdelay $0x1  }
0xa1: {  	s23 =	simm.s32 $0x1B8B  }
0xa2: {  	_ =	swait.ge [sflag:s23], $0x1  }
0xa3: {  	[sflag:s23] =	ssyncset.done $0x0  }
0xa4: {  	s25 =	simm.s32 $0x1B8E;
	s24 =	sld [smem:$0x3FFE];
	[sflag:s23] =	ssyncadd.s32 $0xFFFFFFFF  }
0xa5: {  	s26 =	simm.s32 $execute0_lowered;
	[smem:$0x3FD2] =	sst s25  }
0xa6: {  	s5 =	sshll.u32 s26, $0x1;
	_ =	strace $0x80000046;
	[dreg:$0x1] =	wrdreg $0xFFFFFFFF  }
0xa7: {  	s28 =	simm.s32 $_size_execute0_lowered;
	s3 =	sadd.s32 s3, s5;
	[dreg:$0x0] =	wrdreg $0x0  }
0xa8: {  	s5 =	sshll.u32 s28, $0x1;
	[dreg:$0x2] =	wrdreg s3  }
0xa9: {  	[dreg:$0x3] =	wrdreg s5  }
0xaa: {  	[dreg:$0x4] =	wrdreg $0xC0  }
0xab: {  	_ =	task [dreg:s7], $0x5FFFF  }
0xac: {  	[dreg:$0x1] =	wrdreg $0xFFFFFFFF  }
0xad: {  	[dreg:$0x0] =	wrdreg $0x60  }
0xae: {  	[dreg:$0x2] =	wrdreg s2  }
0xaf: {  	[dreg:$0x3] =	wrdreg s24  }
0xb0: {  	[dreg:$0x4] =	wrdreg $0xC6C00  }
0xb1: {  	[dreg:$0x5] =	wrdreg $0x9  }
0xb2: {  	_ =	task.clear_ibuf [dreg:s7], $0x6FFFF;
	_ =	strace $0x90000046  }
0xb3: {  	s29 =	simm.s32 $0x9;
	_ =	strace $0x80000048  }
0xb4: {  	_ =	swait.ge [sflag:s29], $0x1  }
0xb5: {  	[sflag:s29] =	ssyncadd.s32 $0xFFFFFFFF  }
0xb6: {  	_ =	strace $0x90000048  }
0xb7: {  	_ =	sfence  }
0xb8: {  	s30 =	sld [smem:$0x0];
	_ =	sdelay $0x2  }
0xb9: {  	s31 =	sshll.u32 s1, $0xD;
	s1 =	sshrl.u32 s1, $0x2  }
0xba: {  	s3 =	sand.u32 $0x4000, s31;
	s1 =	sadd.s32 s1, s30  }
0xbb: {  	s0 =	sor.u32 s3, s0;
	s1 =	sshll.u32 s1, $0x11  }
0xbc: {  	s0 =	sor.u32 s1, s0  }
0xbd: {  	s0 =	sadd.s32 $0x8F2B, s0  }
0xbe: {  	[sflag:s0] =	ssyncadd.remote.s32 $0x1  }
0xbf: {  	_ =	sfence.sel $0xFFFF  }
0xc0: {  	[dreg:$0x0] =	wrdreg $0xFFFFFFFF;
	(pc) =	sbr.abs _section_cstart, $3  }
0xc1: {  	[dreg:$0x1] =	wrdreg $0xFFFFFFFF  }
0xc2: {  	_ =	task.clear_ibuf [dreg:s7], $0x2FFFF;
	_ =	strace $0x9FFFFFFF  }
0xc3: {  	(tm) =	ssettm $0x7FFFFFFF  }
tec
execute0_lowered:
.L_overlay_start_1:
0x0: {  	(tag) =	ssettag $0x1  }
0x1: {  	s1 =	rddreg [dreg:$0x0]  }
0x2: {  	s0 =	rddreg [dreg:$0x1]  }
0x3: {  	s2 =	rddreg [dreg:$0x2];
	s3 =	srdreg.scid;
	s4 =	simm.s32 $0x0  }
0x4: {  	s15 =	stileid.u32;
	s28 =	simm.s32 $0x2;
	s29 =	simm.s32 $0x4FB0  }
0x5: {  	s30 =	simm.s32 $0x3;
	s31 =	simm.s32 $0x4;
	s3 =	sand.u32 $0x1, s3  }
0x6: {  	[smem:$0x7FF] =	sst s4;
	s7 =	smul.u32 $0x2710, s15;
	s5 =	sadd.s32 $0x1000, s0  }
0x7: {  	s8 =	sadd.s32 $0x14A00, s0;
	s25 =	sadd.s32 $0x15000, s0;
	s26 =	sadd.s32 $0x1F400, s0  }
0x8: {  	s14 =	smul.u32 $0x4E000, s15;
	s10 =	sshll.u32 s15, $0x1;
	s11 =	sadd.s32 $0x138000, s2  }
0x9: {  	p0 =	sne.s32 s15, $0xF;
	s6 =	smul.u32 $0x27100, s3;
	_ =	strace $0x80000047  }
0xa: {  	[dreg:$0x4] =	wrdreg s8;
	s13 =	ssub.s32 $0x2, s3;
	s12 =	smul.u32 $0x138800, s3  }
0xb: {  	s3 =	sor.u32 s3, s10;
	s8 =	sshrl.u32 s14, $0x2;
	s14 =	smul.u32 $0x13800, s15  }
0xc: {  	[dreg:$0x5] =	wrdreg s25;
	s9 =	sshrl.u32 s13, $0x1;
	s16 =	smul.u32 $0x9C4, s3  }
0xd: {  	s10 =	smul.u32 $0x7D, s3;
	s6 =	sadd.s32 s7, s6;
	s8 =	sadd.s32 s8, s2  }
0xe: {  	s19 =	sshrl.u32 s12, $0x3;
	s7 =	simm.s32 $0x4E70;
	s6 =	sshrl.u32 s6, $0x3  }
0xf: {  	s17 =	sadd.s32 $0x11800, s8;
	s18 =	sadd.s32 s14, s12;
	s20 =	sadd.s32 s14, s2  }
0x10: {  	s21 =	sadd.s32 s26, s19;
	s23 =	sadd.s32 $0x2800, s8;
	s24 =	sadd.s32 $0x5000, s8  }
0x11: {  	s25 =	sadd.s32 $0x7800, s8;
	s12 =	simm.s32 $0x77B0;
	[dreg:$0x6] =	wrdreg s17  }
0x12: {  	s14 =	simm.s32 $0x0;
	s0 =	sadd.s32 s6, s0;
	[dreg:$0xc] =	wrdreg s23  }
0x13: {  	s6 =	ssub.s32 s13, s9;
	s9 =	sadd.s32 s5, s16;
	[dreg:$0xd] =	wrdreg s24  }
0x14: {  	s3 =	sshrl.u32 s18, $0x3;
	s13 =	sadd.s32 $0x2, s10;
	[dreg:$0xe] =	wrdreg s25  }
0x15: {  	s23 =	sadd.s32 $0xF000, s8;
	s24 =	simm.s32 $0x2710;
	s25 =	sshrl.u32 s20, $0x3  }
0x16: {  	[dreg:$0x7] =	wrdreg s9;
	s3 =	sadd.s32 s26, s3;
	s0 =	sadd.s32 $0x15600, s0  }
.Ltmp0:
0x17: {  	s22 =	smax.u32 s6, $0x1;
	[dreg:$0x8] =	wrdreg s3;
	(pc) =	sbr.rel .LBB2_1-.Ltmp0, $4  }
0x18: {  	s26 =	sadd.s32 $0xA000, s8;
	s6 =	simm.s32 $0x4F60;
	[dreg:$0x9] =	wrdreg s0  }
0x19: {  	s9 =	simm.s32 $0x4F10;
	s0 =	sadd.s32 $0x27000, s21;
	[dreg:$0xb] =	wrdreg s22  }
0x1a: {  	v1 =	vimm.s32 $0x0;
	vm0 =	vcmask $0x300;
	[dreg:$0xf] =	wrdreg s26;
	s22 =	sadd.s32 $0xC800, s8;
	s26 =	simm.s32 $0x1  }
0x1b: {  	v0 =	vimm.f32 $0.0e+00;
	v1 =	vsel vm0, $0x3, v1;
	s3 =	simm.s32 $0x9FB0;
	[dreg:$0xa] =	wrdreg s0;
	s0 =	simm.s32 $0x50  }
.LBB2_15:
0x1c: {  	s15 =	stileid.u32  }
0x1d: {  	[bflag:$0x0] =	sbarrier.arrive $0xFFFF;
	s15 =	sshll.u32 s15, $0x6  }
0x1e: {  	s16 =	rddreg [dreg:$0x8];
	s15 =	sor.u32 $0x1C01, s15  }
0x1f: {  	[hbm:s16], [sflag:s15] =	dma.local [spmem:s25], $0x2700  }
0x20: {  	s15 =	rddreg [dreg:$0x9]  }
0x21: {  	[hbm4b:s15+s4] =	stream.linear.scatter [tilespmem:s3], [sflag:$0x2], $0x2710, $0x38;
	[tilespmem:$0x1FF40] =	vst v63  }
0x22: {  	s16 =	simm.s32 @!p0 $0x1FC3;
	s17 =	rddreg [dreg:$0xa];
	s15 =	sshrl.u32 @!p0 s11, $0x3  }
0x23: {  	[hbm:s17], [sflag:s16] =	dma.local @!p0 [spmem:s15], $0x100  }
0x24: {  	s15 =	simm.s32 @!p0 $0x3  }
0x25: {  	_ =	swait.ge @!p0 [sflag:s15], $0x100  }
0x26: {  	[sflag:s15] =	ssyncset.done @!p0 $0x0  }
0x27: {  	[sflag:s15] =	ssyncadd.s32 @!p0 $0xFFFFFF00  }
0x28: {  	_ =	swait.ge [sflag:s26], $0x2700  }
0x29: {  	[sflag:s26] =	ssyncset.done $0x0  }
0x2a: {  	[sflag:s26] =	ssyncadd.s32 $0xFFFFD900  }
0x2b: {  	_ =	swait.ge [sflag:s28], $0x2710  }
0x2c: {  	s14 =	sadd.s32 $0x1, s14;
	s21 =	rddreg [dreg:$0xb]  }
0x2d: {  	p1 =	sne.s32 s14, s21  }
.Ltmp1:
0x2e: {  	_ = 	snop;
	(pc) =	sbr.rel @!p1 .LBB2_16-.Ltmp1, $3  }
0x2f: {  	_ =	sdelay $0x1  }
0x30: {  	[sflag:s28] =	ssyncset.done $0x0  }
0x31: {  	[sflag:s28] =	ssyncadd.s32 $0xFFFFD8F0  }
.LBB2_1:
0x32: {  	s15 =	rddreg [dreg:$0x4]  }
0x33: {  	[tilespmem:s4], [sflag:$0x1] =	stream.linear.gather [hbm4b:s15+s4], $0x2710, $0x38;
	[tilespmem:$0x1FF40] =	vst v63  }
0x34: {  	s21 =	rddreg [dreg:$0x5];
	s15 =	simm.s32 $0x9FF0  }
0x35: {  	[tilespmem:s24], [sflag:$0x2] =	stream.linear.gather [hbm4b:s21+s4], $0x2710, $0x38;
	[tilespmem:$0x1FF40] =	vst v63  }
0x36: {  	[tilespmem:s15+$0xFFFFFFC0] =	vst v0  }
0x37: {  	[tilespmem:s15+$0x30] =	vst v0  }
0x38: {  	[tilespmem:s15+$0x20] =	vst v0  }
0x39: {  	[tilespmem:s15+$0x10] =	vst v0  }
0x3a: {  	[tilespmem:s15+$0x0] =	vst v0  }
0x3b: {  	[tilespmem:s15+$0xFFFFFFF0] =	vst v0  }
0x3c: {  	s16 =	simm.s32 $0x0;
	[tilespmem:s15+$0xFFFFFFE0] =	vst v0  }
.LBB2_2:
0x3d: {  	s16 =	sadd.s32 $0x8, s16;
	[tilespmem:s15+$0xFFFFFFD0] =	vst v0;
	s15 =	sadd.s32 $0x80, s15  }
0x3e: {  	[tilespmem:s15+$0xFFFFFFC0] =	vst v0;
	p1 =	slt.u32 s16, $0x268  }
0x3f: {  	[tilespmem:s15+$0x30] =	vst v0  }
.Ltmp2:
0x40: {  	[tilespmem:s15+$0x20] =	vst v0;
	(pc) =	sbr.rel @p1 .LBB2_2-.Ltmp2, $4  }
0x41: {  	[tilespmem:s15+$0x10] =	vst v0  }
0x42: {  	[tilespmem:s15+$0x0] =	vst v0  }
0x43: {  	[tilespmem:s15+$0xFFFFFFF0] =	vst v0  }
0x44: {  	[tilespmem:s15+$0xFFFFFFE0] =	vst v0  }
0x45: {  	[tilespmem:s15+$0xFFFFFFD0] =	vst v0  }
0x46: {  	s15 =	simm.s32 $0x51B0;
	[tilespmem:$0xC6B0] =	vst v0  }
0x47: {  	[tilespmem:s15+$0xFFFFFE00] =	vst v0  }
0x48: {  	[tilespmem:s15+$0x1F0] =	vst v0  }
0x49: {  	[tilespmem:s15+$0x1E0] =	vst v0  }
0x4a: {  	[tilespmem:s15+$0x1D0] =	vst v0  }
0x4b: {  	[tilespmem:s15+$0x1C0] =	vst v0  }
0x4c: {  	[tilespmem:s15+$0x1B0] =	vst v0  }
0x4d: {  	[tilespmem:s15+$0x1A0] =	vst v0  }
0x4e: {  	[tilespmem:s15+$0x190] =	vst v0  }
0x4f: {  	[tilespmem:s15+$0x180] =	vst v0  }
0x50: {  	[tilespmem:s15+$0x170] =	vst v0  }
0x51: {  	[tilespmem:s15+$0x160] =	vst v0  }
0x52: {  	[tilespmem:s15+$0x150] =	vst v0  }
0x53: {  	[tilespmem:s15+$0x140] =	vst v0  }
0x54: {  	[tilespmem:s15+$0x130] =	vst v0  }
0x55: {  	[tilespmem:s15+$0x120] =	vst v0  }
0x56: {  	[tilespmem:s15+$0x110] =	vst v0  }
0x57: {  	[tilespmem:s15+$0x100] =	vst v0  }
0x58: {  	[tilespmem:s15+$0xF0] =	vst v0  }
0x59: {  	[tilespmem:s15+$0xE0] =	vst v0  }
0x5a: {  	[tilespmem:s15+$0xD0] =	vst v0  }
0x5b: {  	[tilespmem:s15+$0xC0] =	vst v0  }
0x5c: {  	[tilespmem:s15+$0xB0] =	vst v0  }
0x5d: {  	[tilespmem:s15+$0xA0] =	vst v0  }
0x5e: {  	[tilespmem:s15+$0x90] =	vst v0  }
0x5f: {  	[tilespmem:s15+$0x80] =	vst v0  }
0x60: {  	[tilespmem:s15+$0x70] =	vst v0  }
0x61: {  	[tilespmem:s15+$0x60] =	vst v0  }
0x62: {  	[tilespmem:s15+$0x50] =	vst v0  }
0x63: {  	[tilespmem:s15+$0x40] =	vst v0  }
0x64: {  	[tilespmem:s15+$0x30] =	vst v0  }
0x65: {  	[tilespmem:s15+$0x20] =	vst v0  }
0x66: {  	[tilespmem:s15+$0x10] =	vst v0  }
0x67: {  	[tilespmem:s15+$0x0] =	vst v0  }
0x68: {  	[tilespmem:s15+$0xFFFFFFF0] =	vst v0  }
0x69: {  	[tilespmem:s15+$0xFFFFFFE0] =	vst v0  }
0x6a: {  	[tilespmem:s15+$0xFFFFFFD0] =	vst v0  }
0x6b: {  	[tilespmem:s15+$0xFFFFFFC0] =	vst v0  }
0x6c: {  	[tilespmem:s15+$0xFFFFFFB0] =	vst v0  }
0x6d: {  	[tilespmem:s15+$0xFFFFFFA0] =	vst v0  }
0x6e: {  	[tilespmem:s15+$0xFFFFFF90] =	vst v0  }
0x6f: {  	[tilespmem:s15+$0xFFFFFF80] =	vst v0  }
0x70: {  	[tilespmem:s15+$0xFFFFFF70] =	vst v0  }
0x71: {  	[tilespmem:s15+$0xFFFFFF60] =	vst v0  }
0x72: {  	[tilespmem:s15+$0xFFFFFF50] =	vst v0  }
0x73: {  	[tilespmem:s15+$0xFFFFFF40] =	vst v0  }
0x74: {  	[tilespmem:s15+$0xFFFFFF30] =	vst v0  }
0x75: {  	[tilespmem:s15+$0xFFFFFF20] =	vst v0  }
0x76: {  	[tilespmem:s15+$0xFFFFFF10] =	vst v0  }
0x77: {  	[tilespmem:s15+$0xFFFFFF00] =	vst v0  }
0x78: {  	[tilespmem:s15+$0xFFFFFEF0] =	vst v0  }
0x79: {  	[tilespmem:s15+$0xFFFFFEE0] =	vst v0  }
0x7a: {  	[tilespmem:s15+$0xFFFFFED0] =	vst v0  }
0x7b: {  	[tilespmem:s15+$0xFFFFFEC0] =	vst v0  }
0x7c: {  	[tilespmem:s15+$0xFFFFFEB0] =	vst v0  }
0x7d: {  	[tilespmem:s15+$0xFFFFFEA0] =	vst v0  }
0x7e: {  	[tilespmem:s15+$0xFFFFFE90] =	vst v0  }
0x7f: {  	[tilespmem:s15+$0xFFFFFE80] =	vst v0  }
0x80: {  	[tilespmem:s15+$0xFFFFFE70] =	vst v0  }
0x81: {  	[tilespmem:s15+$0xFFFFFE60] =	vst v0  }
0x82: {  	[tilespmem:s15+$0xFFFFFE50] =	vst v0  }
0x83: {  	[tilespmem:s15+$0xFFFFFE40] =	vst v0  }
0x84: {  	[tilespmem:s15+$0xFFFFFE30] =	vst v0  }
0x85: {  	s16 =	simm.s32 $0x0;
	[tilespmem:s15+$0xFFFFFE20] =	vst v0  }
.LBB2_4:
0x86: {  	s16 =	sadd.s32 $0x8, s16;
	[tilespmem:s15+$0xFFFFFE10] =	vst v0;
	s15 =	sadd.s32 $0x400, s15  }
0x87: {  	[tilespmem:s15+$0xFFFFFE00] =	vst v0;
	p1 =	slt.u32 s16, $0x48  }
0x88: {  	[tilespmem:s15+$0x1F0] =	vst v0  }
0x89: {  	[tilespmem:s15+$0x1E0] =	vst v0  }
0x8a: {  	[tilespmem:s15+$0x1D0] =	vst v0  }
0x8b: {  	[tilespmem:s15+$0x1C0] =	vst v0  }
0x8c: {  	[tilespmem:s15+$0x1B0] =	vst v0  }
0x8d: {  	[tilespmem:s15+$0x1A0] =	vst v0  }
0x8e: {  	[tilespmem:s15+$0x190] =	vst v0  }
0x8f: {  	[tilespmem:s15+$0x180] =	vst v0  }
0x90: {  	[tilespmem:s15+$0x170] =	vst v0  }
0x91: {  	[tilespmem:s15+$0x160] =	vst v0  }
0x92: {  	[tilespmem:s15+$0x150] =	vst v0  }
0x93: {  	[tilespmem:s15+$0x140] =	vst v0  }
0x94: {  	[tilespmem:s15+$0x130] =	vst v0  }
0x95: {  	[tilespmem:s15+$0x120] =	vst v0  }
0x96: {  	[tilespmem:s15+$0x110] =	vst v0  }
0x97: {  	[tilespmem:s15+$0x100] =	vst v0  }
0x98: {  	[tilespmem:s15+$0xF0] =	vst v0  }
0x99: {  	[tilespmem:s15+$0xE0] =	vst v0  }
0x9a: {  	[tilespmem:s15+$0xD0] =	vst v0  }
0x9b: {  	[tilespmem:s15+$0xC0] =	vst v0  }
0x9c: {  	[tilespmem:s15+$0xB0] =	vst v0  }
0x9d: {  	[tilespmem:s15+$0xA0] =	vst v0  }
0x9e: {  	[tilespmem:s15+$0x90] =	vst v0  }
0x9f: {  	[tilespmem:s15+$0x80] =	vst v0  }
0xa0: {  	[tilespmem:s15+$0x70] =	vst v0  }
0xa1: {  	[tilespmem:s15+$0x60] =	vst v0  }
0xa2: {  	[tilespmem:s15+$0x50] =	vst v0  }
0xa3: {  	[tilespmem:s15+$0x40] =	vst v0  }
0xa4: {  	[tilespmem:s15+$0x30] =	vst v0  }
0xa5: {  	[tilespmem:s15+$0x20] =	vst v0  }
0xa6: {  	[tilespmem:s15+$0x10] =	vst v0  }
0xa7: {  	[tilespmem:s15+$0x0] =	vst v0  }
0xa8: {  	[tilespmem:s15+$0xFFFFFFF0] =	vst v0  }
0xa9: {  	[tilespmem:s15+$0xFFFFFFE0] =	vst v0  }
0xaa: {  	[tilespmem:s15+$0xFFFFFFD0] =	vst v0  }
0xab: {  	[tilespmem:s15+$0xFFFFFFC0] =	vst v0  }
0xac: {  	[tilespmem:s15+$0xFFFFFFB0] =	vst v0  }
0xad: {  	[tilespmem:s15+$0xFFFFFFA0] =	vst v0  }
0xae: {  	[tilespmem:s15+$0xFFFFFF90] =	vst v0  }
0xaf: {  	[tilespmem:s15+$0xFFFFFF80] =	vst v0  }
0xb0: {  	[tilespmem:s15+$0xFFFFFF70] =	vst v0  }
0xb1: {  	[tilespmem:s15+$0xFFFFFF60] =	vst v0  }
0xb2: {  	[tilespmem:s15+$0xFFFFFF50] =	vst v0  }
0xb3: {  	[tilespmem:s15+$0xFFFFFF40] =	vst v0  }
0xb4: {  	[tilespmem:s15+$0xFFFFFF30] =	vst v0  }
0xb5: {  	[tilespmem:s15+$0xFFFFFF20] =	vst v0  }
0xb6: {  	[tilespmem:s15+$0xFFFFFF10] =	vst v0  }
0xb7: {  	[tilespmem:s15+$0xFFFFFF00] =	vst v0  }
0xb8: {  	[tilespmem:s15+$0xFFFFFEF0] =	vst v0  }
0xb9: {  	[tilespmem:s15+$0xFFFFFEE0] =	vst v0  }
0xba: {  	[tilespmem:s15+$0xFFFFFED0] =	vst v0  }
0xbb: {  	[tilespmem:s15+$0xFFFFFEC0] =	vst v0  }
0xbc: {  	[tilespmem:s15+$0xFFFFFEB0] =	vst v0  }
0xbd: {  	[tilespmem:s15+$0xFFFFFEA0] =	vst v0  }
0xbe: {  	[tilespmem:s15+$0xFFFFFE90] =	vst v0  }
0xbf: {  	[tilespmem:s15+$0xFFFFFE80] =	vst v0  }
0xc0: {  	[tilespmem:s15+$0xFFFFFE70] =	vst v0  }
.Ltmp3:
0xc1: {  	[tilespmem:s15+$0xFFFFFE60] =	vst v0;
	(pc) =	sbr.rel @p1 .LBB2_4-.Ltmp3, $4  }
0xc2: {  	[tilespmem:s15+$0xFFFFFE50] =	vst v0  }
0xc3: {  	[tilespmem:s15+$0xFFFFFE40] =	vst v0  }
0xc4: {  	[tilespmem:s15+$0xFFFFFE30] =	vst v0  }
0xc5: {  	[tilespmem:s15+$0xFFFFFE20] =	vst v0  }
0xc6: {  	[tilespmem:s15+$0xFFFFFE10] =	vst v0  }
0xc7: {  	_ =	swait.ge [sflag:s26], $0x2710  }
0xc8: {  	[sflag:s26] =	ssyncset.done $0x0  }
0xc9: {  	[sflag:s26] =	ssyncadd.s32 $0xFFFFD8F0  }
0xca: {  	_ =	swait.ge [sflag:s28], $0x2710  }
0xcb: {  	[sflag:s28] =	ssyncset.done $0x0  }
0xcc: {  	[sflag:s28] =	ssyncadd.s32 $0xFFFFD8F0  }
0xcd: {  	[spmem:s8] =	stream.linear.scatter [tilespmem:s29], [sflag:$0x3], $0x2800, $0x38;
	[tilespmem:$0x1FF40] =	vst v63  }
0xce: {  	_ =	swait.ge [sflag:s30], $0x2800  }
0xcf: {  	[sflag:s30] =	ssyncset.done $0x0  }
0xd0: {  	s17 =	rddreg [dreg:$0xc];
	[sflag:s30] =	ssyncadd.s32 $0xFFFFD800  }
0xd1: {  	[spmem:s17] =	stream.linear.scatter [tilespmem:s29], [sflag:$0x3], $0x2800, $0x38;
	[tilespmem:$0x1FF40] =	vst v63  }
0xd2: {  	_ =	swait.ge [sflag:s30], $0x2800  }
0xd3: {  	[sflag:s30] =	ssyncset.done $0x0  }
0xd4: {  	s18 =	rddreg [dreg:$0xd];
	[sflag:s30] =	ssyncadd.s32 $0xFFFFD800  }
0xd5: {  	[spmem:s18] =	stream.linear.scatter [tilespmem:s29], [sflag:$0x3], $0x2800, $0x38;
	[tilespmem:$0x1FF40] =	vst v63  }
0xd6: {  	_ =	swait.ge [sflag:s30], $0x2800  }
0xd7: {  	[sflag:s30] =	ssyncset.done $0x0  }
0xd8: {  	s19 =	rddreg [dreg:$0xe];
	[sflag:s30] =	ssyncadd.s32 $0xFFFFD800  }
0xd9: {  	[spmem:s19] =	stream.linear.scatter [tilespmem:s29], [sflag:$0x3], $0x2800, $0x38;
	[tilespmem:$0x1FF40] =	vst v63  }
0xda: {  	_ =	swait.ge [sflag:s30], $0x2800  }
0xdb: {  	[sflag:s30] =	ssyncset.done $0x0  }
0xdc: {  	s20 =	rddreg [dreg:$0xf];
	[sflag:s30] =	ssyncadd.s32 $0xFFFFD800  }
0xdd: {  	[spmem:s20] =	stream.linear.scatter [tilespmem:s29], [sflag:$0x3], $0x2800, $0x38;
	[tilespmem:$0x1FF40] =	vst v63  }
0xde: {  	_ =	swait.ge [sflag:s30], $0x2800  }
0xdf: {  	[sflag:s30] =	ssyncset.done $0x0  }
0xe0: {  	[sflag:s30] =	ssyncadd.s32 $0xFFFFD800  }
0xe1: {  	[spmem:s22] =	stream.linear.scatter [tilespmem:s29], [sflag:$0x3], $0x2800, $0x38;
	[tilespmem:$0x1FF40] =	vst v63  }
0xe2: {  	_ =	swait.ge [sflag:s30], $0x2800  }
0xe3: {  	[sflag:s30] =	ssyncset.done $0x0  }
0xe4: {  	[sflag:s30] =	ssyncadd.s32 $0xFFFFD800  }
0xe5: {  	[spmem:s23] =	stream.linear.scatter [tilespmem:s29], [sflag:$0x3], $0x2800, $0x38;
	[tilespmem:$0x1FF40] =	vst v63  }
0xe6: {  	_ =	swait.ge [sflag:s30], $0x2800  }
0xe7: {  	[sflag:s30] =	ssyncset.done $0x0  }
0xe8: {  	s21 =	rddreg [dreg:$0x6];
	[sflag:s30] =	ssyncadd.s32 $0xFFFFD800  }
0xe9: {  	[spmem:s21] =	stream.linear.scatter [tilespmem:s29], [sflag:$0x3], $0x2000, $0x38;
	[tilespmem:$0x1FF40] =	vst v63  }
0xea: {  	_ =	swait.ge [sflag:s30], $0x2000  }
0xeb: {  	[sflag:s30] =	ssyncset.done $0x0  }
0xec: {  	s15 =	simm.s32 @!p0 $0x4FB0;
	[sflag:s30] =	ssyncadd.s32 $0xFFFFE000  }
0xed: {  	[spmem:s11] =	stream.linear.scatter @!p0 [tilespmem:s15], [sflag:$0x3], $0x800, $0x38;
	[tilespmem:$0x1FF40] =	vst v63  }
0xee: {  	s15 =	simm.s32 @!p0 $0x3  }
0xef: {  	_ =	swait.ge @!p0 [sflag:s15], $0x800  }
0xf0: {  	[sflag:s15] =	ssyncset.done @!p0 $0x0  }
0xf1: {  	s16 =	simm.s32 $0x0;
	[sflag:s15] =	ssyncadd.s32 @!p0 $0xFFFFF800  }
0xf2: {  	v2 =	vimm.f32 $-3.000000010e+38;
	s15 =	simm.s32 $0x40;
	v3 =	vld [tilespmem:s16+$0x0]  }
.LBB2_6:
0xf3: {  	p1 =	sne.s32 s15, $0x9C00  }
.Ltmp4:
0xf4: {  	_ = 	snop;
	(pc) =	sbr.rel @p1 .LBB2_6-.Ltmp4, $3  }
0xf5: {  	_ =	sdelay $0x1  }
0xf6: {  	s16 =	sshra.s32 s15, $0x2;
	s15 =	sadd.s32 $0x40, s15;
	v2 =	vmax.f32 v2, v3  }
0xf7: {  	v3 =	vld [tilespmem:s16+$0x0]  }
0xf8: {  	_ =	sdelay $0x3  }
0xf9: {  	v2 =	vmax.f32 v2, v3  }
0xfa: {  	(xrf0) =	vmax.scan.msk.f32 $0xffff, v2;
	_ =	sdelay $0x5  }
0xfb: {  	v2, _, _ =	vpop (xrf0)  }
0xfc: {  	[bflag:$0x0] =	sbarrier.arrive $0xFFFF  }
0xfd: {  	s15 =	simm.s32 $0x0;
	s17 =	simm.s32 $0x4E20;
	s16 =	rddreg [dreg:$0x7]  }
0xfe: {  	[tilespmem:s17], [sflag:$0x3] =	stream.linear.gather [hbm4b:s16+s15], $0xA0, $0x38;
	[tilespmem:$0x1FF40] =	vst v63  }
.Ltmp5:
0xff: {  	_ = 	snop;
	(pc) =	sbr.rel .LBB2_8-.Ltmp5, $4  }
0x100: {  	_ =	swait.ge [sflag:s30], $0xA0  }
0x101: {  	[sflag:s30] =	ssyncset.done $0x0  }
0x102: {  	s16 =	simm.s32 $0x0;
	[sflag:s30] =	ssyncadd.s32 $0xFFFFFF60  }
0x103: {  	v2 =	vbroadcast v2, $0xF;
	[tilespmem:s29], [sflag:$0x1] =	stream.indirect.gather [hbm4b:s1+s0], $0x80, s17, s0, $0xb8;
	[tilespmem:$0x1FF40] =	vst v63  }
.LBB2_14:
0x104: {  	s16 =	sadd.s32 $0x1, s16  }
0x105: {  	p1 =	sne.s32 s16, $0x3F  }
.Ltmp6:
0x106: {  	_ = 	snop;
	(pc) =	sbr.rel @!p1 .LBB2_15-.Ltmp6, $1  }
0x107: {  	_ =	sdelay $0x3  }
.LBB2_8:
0x108: {  	s17 =	sshllo.u32 s16, $0x1  }
0x109: {  	p1 =	sgt.u32 s17, $0x7C  }
0x10a: {  	s17 =	sadd.s32 @!p1 s10, s17  }
0x10b: {  	s17 =	smul.u32 @!p1 $0x14, s17;
	_ =	sdelay $0x1  }
0x10c: {  	s18 =	simm.s32 @!p1 $0x0;
	s19 =	simm.s32 @!p1 $0x4EC0;
	s17 =	sadd.s32 @!p1 s5, s17  }
0x10d: {  	[tilespmem:s19], [sflag:$0x4] =	stream.linear.gather @!p1 [hbm4b:s17+s18], $0xA0, $0x38;
	[tilespmem:$0x1FF40] =	vst v63  }
0x10e: {  	s17 =	simm.s32 @!p1 $0x4  }
0x10f: {  	_ =	swait.ge @!p1 [sflag:s17], $0xA0  }
0x110: {  	[sflag:s17] =	ssyncset.done @!p1 $0x0  }
0x111: {  	s18 =	simm.s32 @!p1 $0x77B0;
	[sflag:s17] =	ssyncadd.s32 @!p1 $0xFFFFFF60;
	s17 =	simm.s32 @!p1 $0x50  }
0x112: {  	[tilespmem:s18], [sflag:$0x2] =	stream.indirect.gather @!p1 [hbm4b:s1+s17], $0x80, s19, s17, $0xb8;
	[tilespmem:$0x1FF40] =	vst v63  }
0x113: {  	v3 =	vld [tilespmem:$0x4E20]  }
0x114: {  	v4 =	vld [tilespmem:$0x4E70];
	_ =	sdelay $0x6  }
0x115: {  	v3 =	vld.idx.msk [tilespmem:v3+s15+$0x0], $0xffff  }
0x116: {  	v5 =	vld.idx.msk [tilespmem:v4+s24+$0x0], $0xffff;
	_ =	sdelay $0x4  }
0x117: {  	v3 =	vadd.f32 v5, v3;
	v5 =	vadd.f32 v5, v2;
	_ =	sdelay $0x1  }
0x118: {  	v6 =	vmul.f32 $2.000000030e-01, v3;
	v7 =	vmul.f32 $2.000000030e-01, v5;
	_ =	sdelay $0x1  }
0x119: {  	v3 =	vmax.f32 v3, v6;
	v5 =	vmax.f32 v5, v7  }
0x11a: {  	v3 =	vsub.f32 v3, v5;
	_ =	sdelay $0x1  }
0x11b: {  	v3 =	vmul.f32 $1.442695020e+00, v3;
	_ =	sdelay $0x1  }
0x11c: {  	(erf) = vpow2.f32 v3;
	_ =	sdelay $0x8  }
0x11d: {  	v3 =	vpop (erf)  }
0x11e: {  	[tilespmem:$0x4F60] =	vst v3  }
0x11f: {  	[tilespmem:v4+s3+$0x0] =	vst.idx.add.f32.msk $0xffff, v3  }
0x120: {  	v3 =	vld [tilespmem:$0x4E30]  }
0x121: {  	v4 =	vld [tilespmem:$0x4E80];
	_ =	sdelay $0x6  }
0x122: {  	v3 =	vld.idx.msk [tilespmem:v3+s15+$0x0], $0xffff  }
0x123: {  	v5 =	vld.idx.msk [tilespmem:v4+s24+$0x0], $0xffff;
	_ =	sdelay $0x4  }
0x124: {  	v3 =	vadd.f32 v5, v3;
	v5 =	vadd.f32 v5, v2;
	_ =	sdelay $0x1  }
0x125: {  	v6 =	vmul.f32 $2.000000030e-01, v3;
	v7 =	vmul.f32 $2.000000030e-01, v5;
	_ =	sdelay $0x1  }
0x126: {  	v3 =	vmax.f32 v3, v6;
	v5 =	vmax.f32 v5, v7  }
0x127: {  	v3 =	vsub.f32 v3, v5;
	_ =	sdelay $0x1  }
0x128: {  	v3 =	vmul.f32 $1.442695020e+00, v3;
	_ =	sdelay $0x1  }
0x129: {  	(erf) = vpow2.f32 v3;
	_ =	sdelay $0x8  }
0x12a: {  	v3 =	vpop (erf)  }
0x12b: {  	[tilespmem:$0x4F70] =	vst v3  }
0x12c: {  	[tilespmem:v4+s3+$0x0] =	vst.idx.add.f32.msk $0xffff, v3  }
0x12d: {  	v3 =	vld [tilespmem:$0x4E40]  }
0x12e: {  	v4 =	vld [tilespmem:$0x4E90];
	_ =	sdelay $0x6  }
0x12f: {  	v3 =	vld.idx.msk [tilespmem:v3+s15+$0x0], $0xffff  }
0x130: {  	v5 =	vld.idx.msk [tilespmem:v4+s24+$0x0], $0xffff;
	_ =	sdelay $0x4  }
0x131: {  	v3 =	vadd.f32 v5, v3;
	v5 =	vadd.f32 v5, v2;
	_ =	sdelay $0x1  }
0x132: {  	v6 =	vmul.f32 $2.000000030e-01, v3;
	v7 =	vmul.f32 $2.000000030e-01, v5;
	_ =	sdelay $0x1  }
0x133: {  	v3 =	vmax.f32 v3, v6;
	v5 =	vmax.f32 v5, v7  }
0x134: {  	v3 =	vsub.f32 v3, v5;
	_ =	sdelay $0x1  }
0x135: {  	v3 =	vmul.f32 $1.442695020e+00, v3;
	_ =	sdelay $0x1  }
0x136: {  	(erf) = vpow2.f32 v3;
	_ =	sdelay $0x8  }
0x137: {  	v3 =	vpop (erf)  }
0x138: {  	[tilespmem:$0x4F80] =	vst v3  }
0x139: {  	[tilespmem:v4+s3+$0x0] =	vst.idx.add.f32.msk $0xffff, v3  }
0x13a: {  	v3 =	vld [tilespmem:$0x4E50]  }
0x13b: {  	v4 =	vld [tilespmem:$0x4EA0];
	_ =	sdelay $0x6  }
0x13c: {  	v3 =	vld.idx.msk [tilespmem:v3+s15+$0x0], $0xffff  }
0x13d: {  	v5 =	vld.idx.msk [tilespmem:v4+s24+$0x0], $0xffff;
	_ =	sdelay $0x4  }
0x13e: {  	v3 =	vadd.f32 v5, v3;
	v5 =	vadd.f32 v5, v2;
	_ =	sdelay $0x1  }
0x13f: {  	v6 =	vmul.f32 $2.000000030e-01, v3;
	v7 =	vmul.f32 $2.000000030e-01, v5;
	_ =	sdelay $0x1  }
0x140: {  	v3 =	vmax.f32 v3, v6;
	v5 =	vmax.f32 v5, v7  }
0x141: {  	v3 =	vsub.f32 v3, v5;
	_ =	sdelay $0x1  }
0x142: {  	v3 =	vmul.f32 $1.442695020e+00, v3;
	_ =	sdelay $0x1  }
0x143: {  	(erf) = vpow2.f32 v3;
	_ =	sdelay $0x8  }
0x144: {  	v3 =	vpop (erf)  }
0x145: {  	[tilespmem:$0x4F90] =	vst v3  }
0x146: {  	[tilespmem:v4+s3+$0x0] =	vst.idx.add.f32.msk $0xffff, v3  }
0x147: {  	v3 =	vld [tilespmem:$0x4E60]  }
0x148: {  	v4 =	vld [tilespmem:$0x4EB0];
	_ =	sdelay $0x6  }
0x149: {  	v3 =	vld.idx.msk [tilespmem:v3+s15+$0x0], $0xffff  }
0x14a: {  	v5 =	vld.idx.msk [tilespmem:v4+s24+$0x0], $0xffff;
	_ =	sdelay $0x4  }
0x14b: {  	v3 =	vadd.f32 v5, v3;
	v5 =	vadd.f32 v5, v2;
	_ =	sdelay $0x1  }
0x14c: {  	v6 =	vmul.f32 $2.000000030e-01, v3;
	v7 =	vmul.f32 $2.000000030e-01, v5;
	_ =	sdelay $0x1  }
0x14d: {  	v3 =	vmax.f32 v3, v6;
	v5 =	vmax.f32 v5, v7  }
0x14e: {  	v3 =	vsub.f32 v3, v5;
	_ =	sdelay $0x1  }
0x14f: {  	v3 =	vmul.f32 $1.442695020e+00, v3;
	_ =	sdelay $0x1  }
0x150: {  	(erf) = vpow2.f32 v3;
	_ =	sdelay $0x4  }
0x151: {  	s18 =	simm.s32 $0x1  }
0x152: {  	v5 =	vmov s18;
	v3 =	vmov s15  }
0x153: {  	v5 =	vshrl.u32 v5, $0x3;
	v3 =	vshrl.u32 v3, $0x3  }
0x154: {  	v5 =	vshll.u32 v5, v1;
	v3 =	vshll.u32 v3, v1  }
0x155: {  	v5 =	vadd.s32 $0x1, v5;
	v3 =	vbroadcast v3, $0x0;
	v7 =	vpop (erf)  }
0x156: {  	s19 =	simm.s32 $0x7;
	v5 =	vbroadcast v5, $0x0;
	[tilespmem:$0x4FA0] =	vst v7  }
0x157: {  	v6 =	vmov s19;
	[tilespmem:v4+s3+$0x0] =	vst.idx.add.f32.msk $0xffff, v7  }
0x158: {  	v6 =	vshrl.u32 v6, $0x3;
	_ =	swait.ge [sflag:s26], $0x2800  }
0x159: {  	v6 =	vshll.u32 v6, v1;
	[sflag:s26] =	ssyncset.done $0x0  }
0x15a: {  	v6 =	vadd.s32 $0x7, v6;
	[sflag:s26] =	ssyncadd.s32 $0xFFFFD800  }
0x15b: {  	v4 =	vbroadcast v6, $0x0;
	v6 =	vld.idx.msk [tilespmem:v3+s6+$0x0], $0xffff  }
0x15c: {  	s17 =	simm.s32 $0x51B0;
	v5 =	vld.idx.msk [tilespmem:v5+s6+$0x0], $0xffff  }
0x15d: {  	v7 =	vld [tilespmem:s17+$0xFFFFFE10]  }
0x15e: {  	v8 =	vld [tilespmem:s17+$0xFFFFFE20]  }
0x15f: {  	v9 =	vld [tilespmem:s17+$0xFFFFFE30]  }
0x160: {  	v10 =	vld [tilespmem:s17+$0xFFFFFE40]  }
0x161: {  	v11 =	vld [tilespmem:s17+$0xFFFFFE50]  }
0x162: {  	v13 =	vld [tilespmem:s17+$0xFFFFFE60]  }
0x163: {  	v14 =	vld [tilespmem:s17+$0x1F0]  }
0x164: {  	v3 =	vld.idx.msk [tilespmem:v4+s6+$0x0], $0xffff  }
0x165: {  	v4 =	vld [tilespmem:s17+$0xFFFFFE00]  }
0x166: {  	v15 =	vld [tilespmem:s17+$0xFFFFFE80]  }
0x167: {  	v16 =	vld [tilespmem:s17+$0xFFFFFE90]  }
0x168: {  	v18 =	vld [tilespmem:s17+$0xFFFFFEB0];
	v7 =	vmul.f32 v7, v6  }
0x169: {  	s20 =	simm.s32 $0x2;
	v17 =	vld [tilespmem:s17+$0xFFFFFEA0];
	v8 =	vmul.f32 v8, v6  }
0x16a: {  	v12 =	vmov s20;
	v19 =	vld [tilespmem:s17+$0xFFFFFEC0];
	v4 =	vmul.f32 v4, v6;
	[tilespmem:s17+$0xFFFFFE10] =	vst v7  }
0x16b: {  	v12 =	vshrl.u32 v12, $0x3;
	v9 =	vmul.f32 v9, v6;
	v7 =	vld [tilespmem:s17+$0xFFFFFEE0];
	[tilespmem:s17+$0xFFFFFE20] =	vst v8  }
0x16c: {  	v14 =	vmul.f32 v14, v3;
	v8 =	vmul.f32 v10, v6;
	v10 =	vld [tilespmem:s17+$0xFFFFFEF0];
	[tilespmem:s17+$0xFFFFFE00] =	vst v4;
	v4 =	vshll.u32 v12, v1  }
0x16d: {  	s21 =	simm.s32 $0x3;
	v18 =	vmul.f32 v18, v5;
	[tilespmem:s17+$0xFFFFFE30] =	vst v9;
	v9 =	vmul.f32 v11, v6;
	v11 =	vld [tilespmem:s17+$0xFFFFFF00];
	v4 =	vadd.s32 $0x2, v4  }
0x16e: {  	v20 =	vmov s21;
	v12 =	vld [tilespmem:s17+$0xFFFFFE70];
	[tilespmem:s17+$0x1F0] =	vst v14;
	v14 =	vmul.f32 v15, v5;
	v4 =	vbroadcast v4, $0x0  }
0x16f: {  	v20 =	vshrl.u32 v20, $0x3;
	[tilespmem:s17+$0xFFFFFEB0] =	vst v18;
	v18 =	vld [tilespmem:s17+$0xFFFFFF80]  }
0x170: {  	v15 =	vld [tilespmem:s17+$0xFFFFFED0];
	[tilespmem:s17+$0xFFFFFE80] =	vst v14;
	v14 =	vshll.u32 v20, v1  }
0x171: {  	[tilespmem:s17+$0xFFFFFE40] =	vst v8;
	v8 =	vmul.f32 v13, v6;
	v13 =	vld [tilespmem:s17+$0xFFFFFF10];
	v14 =	vadd.s32 $0x3, v14  }
0x172: {  	v19 =	vmul.f32 v19, v5;
	[tilespmem:s17+$0xFFFFFE50] =	vst v9;
	v9 =	vld [tilespmem:s17+$0xFFFFFF20];
	v14 =	vbroadcast v14, $0x0  }
0x173: {  	[tilespmem:s17+$0xFFFFFE60] =	vst v8;
	v8 =	vmul.f32 v16, v5;
	v16 =	vld [tilespmem:s17+$0xFFFFFF40];
	v6 =	vmul.f32 v12, v6  }
0x174: {  	[tilespmem:s17+$0xFFFFFEC0] =	vst v19;
	v4 =	vld.idx.msk [tilespmem:v4+s6+$0x0], $0xffff  }
0x175: {  	v7 =	vmul.f32 v7, v5;
	v12 =	vld [tilespmem:s17+$0xFFFFFF30];
	[tilespmem:s17+$0xFFFFFE70] =	vst v6;
	v6 =	vmul.f32 v17, v5  }
0x176: {  	[tilespmem:s17+$0xFFFFFE90] =	vst v8;
	v15 =	vmul.f32 v15, v5;
	v5 =	vmul.f32 v10, v5;
	v10 =	vld [tilespmem:s17+$0xFFFFFF90]  }
0x177: {  	[tilespmem:s17+$0xFFFFFEA0] =	vst v6;
	v6 =	vld [tilespmem:s17+$0xFFFFFF60]  }
0x178: {  	[tilespmem:s17+$0xFFFFFEE0] =	vst v7;
	v14 =	vld.idx.msk [tilespmem:v14+s6+$0x0], $0xffff  }
0x179: {  	s19 =	simm.s32 $0x4;
	[tilespmem:s17+$0xFFFFFED0] =	vst v15;
	v15 =	vld [tilespmem:s17+$0xFFFFFFD0];
	v8 =	vmul.f32 v11, v4  }
0x17a: {  	v17 =	vmov s19;
	[tilespmem:s17+$0xFFFFFEF0] =	vst v5;
	v11 =	vld [tilespmem:s17+$0xFFFFFF50];
	v7 =	vmul.f32 v13, v4  }
0x17b: {  	v17 =	vshrl.u32 v17, $0x3;
	v13 =	vld [tilespmem:s17+$0xFFFFFFA0];
	v5 =	vmul.f32 v9, v4;
	[tilespmem:s17+$0xFFFFFF00] =	vst v8  }
0x17c: {  	s20 =	simm.s32 $0x5;
	v9 =	vld [tilespmem:s17+$0xFFFFFFB0];
	v16 =	vmul.f32 v16, v4;
	v6 =	vmul.f32 v6, v4;
	v8 =	vshll.u32 v17, v1;
	[tilespmem:s17+$0xFFFFFF10] =	vst v7  }
0x17d: {  	v17 =	vld [tilespmem:s17+$0xFFFFFF70];
	[tilespmem:s17+$0xFFFFFF20] =	vst v5;
	v5 =	vmul.f32 v18, v14;
	v18 =	vmov s20;
	v8 =	vadd.s32 $0x4, v8  }
0x17e: {  	v7 =	vmul.f32 v12, v4;
	v12 =	vld [tilespmem:s17+$0xFFFFFFC0];
	[tilespmem:s17+$0xFFFFFF40] =	vst v16;
	v18 =	vshrl.u32 v18, $0x3;
	v8 =	vbroadcast v8, $0x0  }
0x17f: {  	v16 =	vld [tilespmem:s17+$0xFFFFFFF0];
	[tilespmem:s17+$0xFFFFFF80] =	vst v5;
	v5 =	vshll.u32 v18, v1  }
0x180: {  	[tilespmem:s17+$0xFFFFFF60] =	vst v6;
	v6 =	vmul.f32 v10, v14;
	v10 =	vld [tilespmem:s17+$0x10];
	v5 =	vadd.s32 $0x5, v5  }
0x181: {  	[tilespmem:s17+$0xFFFFFF30] =	vst v7;
	v7 =	vld [tilespmem:s17+$0xFFFFFFE0];
	v11 =	vmul.f32 v11, v4;
	v5 =	vbroadcast v5, $0x0  }
0x182: {  	[tilespmem:s17+$0xFFFFFF90] =	vst v6;
	v6 =	vmul.f32 v9, v14;
	v9 =	vld [tilespmem:s17+$0x30];
	v4 =	vmul.f32 v17, v4  }
0x183: {  	v15 =	vmul.f32 v15, v14;
	[tilespmem:s17+$0xFFFFFF50] =	vst v11;
	v11 =	vld [tilespmem:s17+$0x0]  }
0x184: {  	[tilespmem:s17+$0xFFFFFF70] =	vst v4;
	v4 =	vmul.f32 v13, v14;
	v8 =	vld.idx.msk [tilespmem:v8+s6+$0x0], $0xffff  }
0x185: {  	[tilespmem:s17+$0xFFFFFFD0] =	vst v15;
	v13 =	vld [tilespmem:s17+$0x20]  }
0x186: {  	[tilespmem:s17+$0xFFFFFFA0] =	vst v4;
	v4 =	vmul.f32 v12, v14;
	v12 =	vld [tilespmem:s17+$0x40]  }
0x187: {  	[tilespmem:s17+$0xFFFFFFB0] =	vst v6;
	v7 =	vmul.f32 v7, v14;
	v14 =	vmul.f32 v16, v14;
	v5 =	vld.idx.msk [tilespmem:v5+s6+$0x0], $0xffff  }
0x188: {  	[tilespmem:s17+$0xFFFFFFC0] =	vst v4;
	v4 =	vld [tilespmem:s17+$0x60]  }
0x189: {  	s21 =	simm.s32 $0x6;
	[tilespmem:s17+$0xFFFFFFF0] =	vst v14;
	v14 =	vld [tilespmem:s17+$0x90];
	v6 =	vmul.f32 v11, v8  }
0x18a: {  	v17 =	vmov s21;
	[tilespmem:s17+$0xFFFFFFE0] =	vst v7;
	v11 =	vld [tilespmem:s17+$0x50];
	v7 =	vmul.f32 v10, v8  }
0x18b: {  	v17 =	vshrl.u32 v17, $0x3;
	v10 =	vld [tilespmem:s17+$0x80];
	v13 =	vmul.f32 v13, v8;
	[tilespmem:s17+$0x0] =	vst v6  }
0x18c: {  	v15 =	vld [tilespmem:s17+$0x70];
	v12 =	vmul.f32 v12, v8;
	v6 =	vshll.u32 v17, v1;
	[tilespmem:s17+$0x10] =	vst v7  }
0x18d: {  	v7 =	vmul.f32 v9, v8;
	v9 =	vld [tilespmem:s17+$0xA0];
	[tilespmem:s17+$0x20] =	vst v13;
	v6 =	vadd.s32 $0x6, v6  }
0x18e: {  	v13 =	vld [tilespmem:s17+$0xB0];
	[tilespmem:s17+$0x40] =	vst v12;
	v16 =	vmul.f32 v4, v8;
	v6 =	vbroadcast v6, $0x0  }
0x18f: {  	v12 =	vld [tilespmem:s17+$0xD0];
	v14 =	vmul.f32 v14, v5;
	[tilespmem:s17+$0x30] =	vst v7  }
0x190: {  	v7 =	vmul.f32 v11, v8;
	v11 =	vld [tilespmem:s17+$0xC0];
	v10 =	vmul.f32 v10, v5;
	[tilespmem:s17+$0x60] =	vst v16  }
0x191: {  	s19 =	simm.s32 $0x8;
	s20 =	simm.s32 $0x9;
	[tilespmem:s17+$0x90] =	vst v14  }
0x192: {  	v17 =	vmov s19;
	v16 =	vld [tilespmem:s17+$0xF0];
	[tilespmem:s17+$0x80] =	vst v10;
	v10 =	vmov s20  }
0x193: {  	[tilespmem:s17+$0x50] =	vst v7;
	v7 =	vld [tilespmem:s17+$0xE0];
	v9 =	vmul.f32 v9, v5;
	v13 =	vmul.f32 v13, v5;
	v10 =	vshrl.u32 v10, $0x3  }
0x194: {  	s21 =	simm.s32 $0xA;
	v12 =	vmul.f32 v12, v5;
	v10 =	vshll.u32 v10, v1;
	v4 =	vld.idx.msk [tilespmem:v6+s6+$0x0], $0xffff;
	v6 =	vmul.f32 v15, v8  }
0x195: {  	v18 =	vld [tilespmem:s17+$0x100];
	[tilespmem:s17+$0xA0] =	vst v9;
	v8 =	vshrl.u32 v17, $0x3;
	v15 =	vmov s21;
	s21 =	simm.s32 $0xC;
	v9 =	vmul.f32 v11, v5  }
0x196: {  	v14 =	vld [tilespmem:s17+$0x110];
	s20 =	simm.s32 $0xB;
	[tilespmem:s17+$0xB0] =	vst v13;
	v10 =	vadd.s32 $0x1, v10;
	v17 =	vmov s21;
	s21 =	simm.s32 $0xE;
	v8 =	vshll.u32 v8, v1  }
0x197: {  	v11 =	vld [tilespmem:s17+$0x120];
	v15 =	vshrl.u32 v15, $0x3;
	[tilespmem:s17+$0x70] =	vst v6;
	v6 =	vmov s20;
	v20 =	vmov s21  }
0x198: {  	v13 =	vld [tilespmem:s17+$0x130];
	[tilespmem:s17+$0xD0] =	vst v12;
	s20 =	simm.s32 $0xD;
	v17 =	vshrl.u32 v17, $0x3;
	v7 =	vmul.f32 v7, v5;
	v5 =	vmul.f32 v16, v5  }
0x199: {  	[tilespmem:s17+$0xC0] =	vst v9;
	v9 =	vld [tilespmem:s17+$0x140];
	v15 =	vshll.u32 v15, v1;
	v19 =	vmov s20;
	v21 =	vshrl.u32 v6, $0x3  }
0x19a: {  	v16 =	vld [tilespmem:s17+$0x150];
	v6 =	vbroadcast v8, $0x0;
	v15 =	vadd.s32 $0x2, v15;
	[tilespmem:s17+$0xE0] =	vst v7;
	v12 =	vmul.f32 v18, v4  }
0x19b: {  	v8 =	vshrl.u32 v19, $0x3;
	v19 =	vld [tilespmem:s17+$0x160];
	v7 =	vshll.u32 v21, v1;
	[tilespmem:s17+$0xF0] =	vst v5;
	v14 =	vmul.f32 v14, v4  }
0x19c: {  	v5 =	vld [tilespmem:s17+$0x170];
	v18 =	vshrl.u32 v20, $0x3;
	v20 =	vshll.u32 v17, v1;
	v11 =	vmul.f32 v11, v4;
	[tilespmem:s17+$0x100] =	vst v12  }
0x19d: {  	v63 =	vmul.f32 v13, v4;
	v17 =	vadd.s32 $0x3, v7;
	v12 =	vshll.u32 v8, v1;
	[tilespmem:s17+$0x110] =	vst v14;
	v8 =	vld [tilespmem:s17+$0x180]  }
0x19e: {  	v7 =	vbroadcast v10, $0x0;
	v18 =	vshll.u32 v18, v1;
	[tilespmem:s17+$0x120] =	vst v11;
	v11 =	vmul.f32 v9, v4;
	v9 =	vld [tilespmem:s17+$0x190]  }
0x19f: {  	v10 =	vld [tilespmem:s17+$0x1A0];
	v13 =	vadd.s32 $0x4, v20;
	[tilespmem:s17+$0x130] =	vst v63;
	v16 =	vmul.f32 v16, v4;
	v14 =	vadd.s32 $0x5, v12  }
0x1a0: {  	s18 =	sshll.u32 s16, $0x1;
	s19 =	simm.s32 $0x10;
	s20 =	simm.s32 $0xF;
	v12 =	vbroadcast v15, $0x0;
	v15 =	vadd.s32 $0x6, v18;
	[tilespmem:s17+$0x140] =	vst v11;
	v18 =	vmul.f32 v19, v4;
	v11 =	vld [tilespmem:s17+$0x1B0]  }
.LBB2_9:
0x1a1: {  	p2 =	slt.u32 s19, $0x48;
	v17 =	vbroadcast v17, $0x0;
	v19 =	vmov s20;
	[tilespmem:s17+$0x150] =	vst v16;
	v4 =	vmul.f32 v5, v4;
	v5 =	vld [tilespmem:s17+$0x1C0]  }
0x1a2: {  	v13 =	vbroadcast v13, $0x0;
	v16 =	vshrl.u32 v19, $0x3;
	[tilespmem:s17+$0x160] =	vst v18;
	v8 =	vmul.f32 v8, v3;
	v18 =	vld [tilespmem:s17+$0x1D0]  }
0x1a3: {  	v14 =	vbroadcast v14, $0x0;
	v16 =	vshll.u32 v16, v1;
	[tilespmem:s17+$0x170] =	vst v4;
	v4 =	vmul.f32 v9, v3;
	v9 =	vld [tilespmem:s17+$0x1E0]  }
0x1a4: {  	v15 =	vbroadcast v15, $0x0;
	v19 =	vld.idx.msk [tilespmem:v6+s6+$0x0], $0xffff;
	v6 =	vadd.s32 $0x7, v16;
	[tilespmem:s17+$0x180] =	vst v8;
	v8 =	vmul.f32 v10, v3  }
0x1a5: {  	v10 =	vld.idx.msk [tilespmem:v7+s6+$0x0], $0xffff;
	v16 =	vbroadcast v6, $0x0;
	[tilespmem:s17+$0x190] =	vst v4;
	v4 =	vmul.f32 v11, v3  }
0x1a6: {  	v11 =	vld.idx.msk [tilespmem:v12+s6+$0x0], $0xffff;
	[tilespmem:s17+$0x1A0] =	vst v8;
	v5 =	vmul.f32 v5, v3  }
0x1a7: {  	v7 =	vld.idx.msk [tilespmem:v17+s6+$0x0], $0xffff;
	[tilespmem:s17+$0x1B0] =	vst v4;
	v4 =	vmul.f32 v18, v3  }
0x1a8: {  	v6 =	vld.idx.msk [tilespmem:v13+s6+$0x0], $0xffff;
	[tilespmem:s17+$0x1C0] =	vst v5;
	v3 =	vmul.f32 v9, v3  }
0x1a9: {  	v5 =	vld.idx.msk [tilespmem:v14+s6+$0x0], $0xffff;
	[tilespmem:s17+$0x1D0] =	vst v4  }
0x1aa: {  	v4 =	vld.idx.msk [tilespmem:v15+s6+$0x0], $0xffff;
	[tilespmem:s17+$0x1E0] =	vst v3  }
0x1ab: {  	s17 =	sadd.s32 $0x400, s17;
	v3 =	vld.idx.msk [tilespmem:v16+s6+$0x0], $0xffff  }
0x1ac: {  	v8 =	vld [tilespmem:s17+$0x1F0]  }
0x1ad: {  	v9 =	vld [tilespmem:s17+$0xFFFFFE00]  }
0x1ae: {  	v12 =	vld [tilespmem:s17+$0xFFFFFE10]  }
0x1af: {  	v13 =	vld [tilespmem:s17+$0xFFFFFE20]  }
0x1b0: {  	v14 =	vld [tilespmem:s17+$0xFFFFFE30]  }
0x1b1: {  	v15 =	vld [tilespmem:s17+$0xFFFFFE40];
	v8 =	vmul.f32 v8, v3  }
0x1b2: {  	v9 =	vmul.f32 v9, v19;
	v16 =	vld [tilespmem:s17+$0xFFFFFE50]  }
0x1b3: {  	v12 =	vmul.f32 v12, v19;
	v17 =	vld [tilespmem:s17+$0xFFFFFE60];
	[tilespmem:s17+$0x1F0] =	vst v8  }
0x1b4: {  	[tilespmem:s17+$0xFFFFFE00] =	vst v9;
	v8 =	vmul.f32 v13, v19;
	v9 =	vld [tilespmem:s17+$0xFFFFFE70]  }
0x1b5: {  	[tilespmem:s17+$0xFFFFFE10] =	vst v12;
	v12 =	vmul.f32 v14, v19;
	v13 =	vld [tilespmem:s17+$0xFFFFFE80]  }
0x1b6: {  	[tilespmem:s17+$0xFFFFFE20] =	vst v8;
	v8 =	vmul.f32 v15, v19;
	v14 =	vld [tilespmem:s17+$0xFFFFFE90]  }
0x1b7: {  	[tilespmem:s17+$0xFFFFFE30] =	vst v12;
	v12 =	vmul.f32 v16, v19;
	v15 =	vld [tilespmem:s17+$0xFFFFFEA0]  }
0x1b8: {  	[tilespmem:s17+$0xFFFFFE40] =	vst v8;
	v8 =	vmul.f32 v17, v19;
	v16 =	vld [tilespmem:s17+$0xFFFFFEB0]  }
0x1b9: {  	[tilespmem:s17+$0xFFFFFE50] =	vst v12;
	v9 =	vmul.f32 v9, v19;
	v12 =	vld [tilespmem:s17+$0xFFFFFEC0]  }
0x1ba: {  	[tilespmem:s17+$0xFFFFFE60] =	vst v8;
	v8 =	vmul.f32 v13, v10;
	v13 =	vld [tilespmem:s17+$0xFFFFFED0]  }
0x1bb: {  	[tilespmem:s17+$0xFFFFFE70] =	vst v9;
	v9 =	vmul.f32 v14, v10;
	v14 =	vld [tilespmem:s17+$0xFFFFFEE0]  }
0x1bc: {  	[tilespmem:s17+$0xFFFFFE80] =	vst v8;
	v8 =	vmul.f32 v15, v10;
	v15 =	vld [tilespmem:s17+$0xFFFFFEF0]  }
0x1bd: {  	[tilespmem:s17+$0xFFFFFE90] =	vst v9;
	v9 =	vmul.f32 v16, v10;
	v16 =	vld [tilespmem:s17+$0xFFFFFF00]  }
0x1be: {  	[tilespmem:s17+$0xFFFFFEA0] =	vst v8;
	v8 =	vmul.f32 v12, v10;
	v12 =	vld [tilespmem:s17+$0xFFFFFF10]  }
0x1bf: {  	[tilespmem:s17+$0xFFFFFEB0] =	vst v9;
	v9 =	vmul.f32 v13, v10;
	v13 =	vld [tilespmem:s17+$0xFFFFFF20]  }
0x1c0: {  	[tilespmem:s17+$0xFFFFFEC0] =	vst v8;
	v8 =	vmul.f32 v14, v10;
	v14 =	vld [tilespmem:s17+$0xFFFFFF30]  }
0x1c1: {  	[tilespmem:s17+$0xFFFFFED0] =	vst v9;
	v9 =	vmul.f32 v15, v10;
	v10 =	vld [tilespmem:s17+$0xFFFFFF40]  }
0x1c2: {  	[tilespmem:s17+$0xFFFFFEE0] =	vst v8;
	v8 =	vmul.f32 v16, v11;
	v15 =	vld [tilespmem:s17+$0xFFFFFF50]  }
0x1c3: {  	[tilespmem:s17+$0xFFFFFEF0] =	vst v9;
	v9 =	vmul.f32 v12, v11;
	v12 =	vld [tilespmem:s17+$0xFFFFFF60]  }
0x1c4: {  	[tilespmem:s17+$0xFFFFFF00] =	vst v8;
	v8 =	vmul.f32 v13, v11;
	v13 =	vld [tilespmem:s17+$0xFFFFFF70]  }
0x1c5: {  	[tilespmem:s17+$0xFFFFFF10] =	vst v9;
	v9 =	vmul.f32 v14, v11;
	v14 =	vld [tilespmem:s17+$0xFFFFFF80]  }
0x1c6: {  	[tilespmem:s17+$0xFFFFFF20] =	vst v8;
	v8 =	vmul.f32 v10, v11;
	v10 =	vld [tilespmem:s17+$0xFFFFFF90]  }
0x1c7: {  	[tilespmem:s17+$0xFFFFFF30] =	vst v9;
	v9 =	vmul.f32 v15, v11;
	v15 =	vld [tilespmem:s17+$0xFFFFFFA0]  }
0x1c8: {  	[tilespmem:s17+$0xFFFFFF40] =	vst v8;
	v8 =	vmul.f32 v12, v11;
	v12 =	vld [tilespmem:s17+$0xFFFFFFB0]  }
0x1c9: {  	[tilespmem:s17+$0xFFFFFF50] =	vst v9;
	v9 =	vmul.f32 v13, v11;
	v11 =	vld [tilespmem:s17+$0xFFFFFFC0]  }
0x1ca: {  	[tilespmem:s17+$0xFFFFFF60] =	vst v8;
	v8 =	vmul.f32 v14, v7;
	v13 =	vld [tilespmem:s17+$0xFFFFFFD0]  }
0x1cb: {  	[tilespmem:s17+$0xFFFFFF70] =	vst v9;
	v9 =	vmul.f32 v10, v7;
	v10 =	vld [tilespmem:s17+$0xFFFFFFE0]  }
0x1cc: {  	[tilespmem:s17+$0xFFFFFF80] =	vst v8;
	v8 =	vmul.f32 v15, v7;
	v14 =	vld [tilespmem:s17+$0xFFFFFFF0]  }
0x1cd: {  	[tilespmem:s17+$0xFFFFFF90] =	vst v9;
	v9 =	vmul.f32 v12, v7;
	v12 =	vld [tilespmem:s17+$0x0]  }
0x1ce: {  	[tilespmem:s17+$0xFFFFFFA0] =	vst v8;
	v8 =	vmul.f32 v11, v7;
	v11 =	vld [tilespmem:s17+$0x10]  }
0x1cf: {  	[tilespmem:s17+$0xFFFFFFB0] =	vst v9;
	v9 =	vmul.f32 v13, v7;
	v13 =	vld [tilespmem:s17+$0x20]  }
0x1d0: {  	[tilespmem:s17+$0xFFFFFFC0] =	vst v8;
	v8 =	vmul.f32 v10, v7;
	v10 =	vld [tilespmem:s17+$0x30]  }
0x1d1: {  	[tilespmem:s17+$0xFFFFFFD0] =	vst v9;
	v7 =	vmul.f32 v14, v7;
	v9 =	vld [tilespmem:s17+$0x40]  }
0x1d2: {  	[tilespmem:s17+$0xFFFFFFE0] =	vst v8;
	v8 =	vmul.f32 v12, v6;
	v12 =	vld [tilespmem:s17+$0x50]  }
0x1d3: {  	[tilespmem:s17+$0xFFFFFFF0] =	vst v7;
	v7 =	vmul.f32 v11, v6;
	v11 =	vld [tilespmem:s17+$0x60]  }
0x1d4: {  	[tilespmem:s17+$0x0] =	vst v8;
	v8 =	vmul.f32 v13, v6;
	v13 =	vld [tilespmem:s17+$0x70]  }
0x1d5: {  	[tilespmem:s17+$0x10] =	vst v7;
	v7 =	vmul.f32 v10, v6;
	v10 =	vld [tilespmem:s17+$0x80]  }
0x1d6: {  	[tilespmem:s17+$0x20] =	vst v8;
	v8 =	vmul.f32 v9, v6;
	v9 =	vld [tilespmem:s17+$0x90]  }
0x1d7: {  	[tilespmem:s17+$0x30] =	vst v7;
	v7 =	vmul.f32 v12, v6;
	v12 =	vld [tilespmem:s17+$0xA0]  }
0x1d8: {  	[tilespmem:s17+$0x40] =	vst v8;
	v8 =	vmul.f32 v11, v6;
	v11 =	vld [tilespmem:s17+$0xB0]  }
0x1d9: {  	v14 =	vmov s19;
	[tilespmem:s17+$0x50] =	vst v7;
	v6 =	vmul.f32 v13, v6;
	v7 =	vld [tilespmem:s17+$0xC0]  }
0x1da: {  	s20 =	sadd.s32 $0x1, s19;
	s21 =	sadd.s32 $0x2, s19;
	v13 =	vshrl.u32 v14, $0x3;
	[tilespmem:s17+$0x60] =	vst v8;
	v8 =	vmul.f32 v10, v5;
	v10 =	vld [tilespmem:s17+$0xD0]  }
0x1db: {  	v15 =	vmov s21;
	s21 =	sadd.s32 $0x4, s19;
	v14 =	vmov s20;
	s20 =	sadd.s32 $0x3, s19;
	[tilespmem:s17+$0x70] =	vst v6;
	v6 =	vmul.f32 v9, v5;
	v9 =	vld [tilespmem:s17+$0xE0]  }
0x1dc: {  	v17 =	vmov s21;
	s21 =	sadd.s32 $0x6, s19;
	v16 =	vmov s20;
	s20 =	sadd.s32 $0x5, s19;
	[tilespmem:s17+$0x80] =	vst v8;
	v8 =	vmul.f32 v12, v5;
	v12 =	vld [tilespmem:s17+$0xF0]  }
0x1dd: {  	v19 =	vmov s21;
	v18 =	vmov s20;
	[tilespmem:s17+$0x90] =	vst v6;
	v6 =	vmul.f32 v11, v5;
	v11 =	vld [tilespmem:s17+$0x100]  }
0x1de: {  	v13 =	vshll.u32 v13, v1;
	v14 =	vshrl.u32 v14, $0x3;
	[tilespmem:s17+$0xA0] =	vst v8;
	v7 =	vmul.f32 v7, v5;
	v8 =	vld [tilespmem:s17+$0x110]  }
0x1df: {  	v15 =	vshrl.u32 v15, $0x3;
	v16 =	vshrl.u32 v16, $0x3;
	[tilespmem:s17+$0xB0] =	vst v6;
	v10 =	vmul.f32 v10, v5;
	v20 =	vld [tilespmem:s17+$0x120]  }
0x1e0: {  	v17 =	vshrl.u32 v17, $0x3;
	v18 =	vshrl.u32 v18, $0x3;
	[tilespmem:s17+$0xC0] =	vst v7;
	v7 =	vmul.f32 v9, v5;
	v9 =	vld [tilespmem:s17+$0x130]  }
0x1e1: {  	v6 =	vbroadcast v13, $0x0;
	v13 =	vshrl.u32 v19, $0x3;
	[tilespmem:s17+$0xD0] =	vst v10;
	v5 =	vmul.f32 v12, v5;
	v10 =	vld [tilespmem:s17+$0x140]  }
0x1e2: {  	v12 =	vshll.u32 v14, v1;
	v14 =	vshll.u32 v15, v1;
	[tilespmem:s17+$0xE0] =	vst v7;
	v7 =	vmul.f32 v11, v4;
	v11 =	vld [tilespmem:s17+$0x150]  }
0x1e3: {  	v15 =	vshll.u32 v16, v1;
	v16 =	vshll.u32 v17, v1;
	[tilespmem:s17+$0xF0] =	vst v5;
	v8 =	vmul.f32 v8, v4;
	v19 =	vld [tilespmem:s17+$0x160]  }
.Ltmp7:
0x1e4: {  	v18 =	vshll.u32 v18, v1;
	v21 =	vshll.u32 v13, v1;
	[tilespmem:s17+$0x100] =	vst v7;
	v7 =	vmul.f32 v20, v4;
	v5 =	vld [tilespmem:s17+$0x170];
	(pc) =	sbr.rel @p2 .LBB2_9-.Ltmp7, $4  }
0x1e5: {  	v12 =	vadd.s32 $0x1, v12;
	v20 =	vadd.s32 $0x2, v14;
	[tilespmem:s17+$0x110] =	vst v8;
	v22 =	vmul.f32 v9, v4;
	v8 =	vld [tilespmem:s17+$0x180]  }
0x1e6: {  	v17 =	vadd.s32 $0x3, v15;
	v13 =	vadd.s32 $0x4, v16;
	[tilespmem:s17+$0x120] =	vst v7;
	v23 =	vmul.f32 v10, v4;
	v9 =	vld [tilespmem:s17+$0x190]  }
0x1e7: {  	v14 =	vadd.s32 $0x5, v18;
	v7 =	vbroadcast v12, $0x0;
	[tilespmem:s17+$0x130] =	vst v22;
	v16 =	vmul.f32 v11, v4;
	v10 =	vld [tilespmem:s17+$0x1A0]  }
0x1e8: {  	s20 =	sadd.s32 $0x7, s19;
	s19 =	sadd.s32 $0x8, s19;
	v15 =	vadd.s32 $0x6, v21;
	v12 =	vbroadcast v20, $0x0;
	[tilespmem:s17+$0x140] =	vst v23;
	v18 =	vmul.f32 v19, v4;
	v11 =	vld [tilespmem:s17+$0x1B0]  }
0x1e9: {  	_ = 	snop  }
0x1ea: {  	v20 =	vld [tilespmem:s17+$0x1C0]  }
0x1eb: {  	v21 =	vld [tilespmem:s17+$0x1D0]  }
0x1ec: {  	v22 =	vld [tilespmem:s17+$0x1E0]  }
0x1ed: {  	v19 =	vmov s20;
	v23 =	vld.idx.msk [tilespmem:v6+s6+$0x0], $0xffff  }
0x1ee: {  	v60 =	vld.idx.msk [tilespmem:v7+s6+$0x0], $0xffff;
	v19 =	vshrl.u32 v19, $0x3  }
0x1ef: {  	s19 =	sadd.s32 $0x400, s17;
	v12 =	vld.idx.msk [tilespmem:v12+s6+$0x0], $0xffff;
	v19 =	vshll.u32 v19, v1  }
0x1f0: {  	[tilespmem:s17+$0x150] =	vst v16;
	v16 =	vld [tilespmem:s19+$0xFFFFFE00];
	v59 =	vadd.s32 $0x7, v19  }
0x1f1: {  	v25 =	vld [tilespmem:s19+$0xFFFFFE30];
	v24 =	vbroadcast v59, $0x0  }
0x1f2: {  	v4 =	vmul.f32 v5, v4;
	v26 =	vld [tilespmem:s19+$0xFFFFFE40]  }
0x1f3: {  	[tilespmem:s17+$0x160] =	vst v18;
	v8 =	vmul.f32 v8, v3;
	v27 =	vld [tilespmem:s19+$0xFFFFFE50]  }
0x1f4: {  	v28 =	vld [tilespmem:s19+$0xFFFFFE60];
	[tilespmem:s17+$0x170] =	vst v4;
	v9 =	vmul.f32 v9, v3  }
0x1f5: {  	v29 =	vld [tilespmem:s19+$0xFFFFFE70];
	[tilespmem:s17+$0x180] =	vst v8;
	v61 =	vmul.f32 v10, v3  }
0x1f6: {  	v30 =	vld [tilespmem:s19+$0xFFFFFE80];
	[tilespmem:s17+$0x190] =	vst v9;
	v63 =	vmul.f32 v11, v3  }
0x1f7: {  	[tilespmem:s17+$0x1A0] =	vst v61;
	v18 =	vmul.f32 v20, v3;
	v4 =	vld.idx.msk [tilespmem:v24+s6+$0x0], $0xffff  }
0x1f8: {  	v21 =	vmul.f32 v21, v3;
	[tilespmem:s17+$0x1B0] =	vst v63;
	v24 =	vld [tilespmem:s19+$0xFFFFFE20]  }
0x1f9: {  	v31 =	vld [tilespmem:s19+$0xFFFFFE90];
	v3 =	vmul.f32 v22, v3;
	[tilespmem:s17+$0x1C0] =	vst v18  }
0x1fa: {  	v33 =	vld [tilespmem:s19+$0xFFFFFEA0];
	v8 =	vmul.f32 v25, v23;
	[tilespmem:s17+$0x1D0] =	vst v21  }
0x1fb: {  	v34 =	vld [tilespmem:s19+$0xFFFFFEB0];
	[tilespmem:s17+$0x1E0] =	vst v3;
	v3 =	vmul.f32 v16, v23  }
0x1fc: {  	v36 =	vld [tilespmem:s19+$0xFFFFFEC0];
	v32 =	vmul.f32 v27, v23;
	[tilespmem:s19+$0xFFFFFE30] =	vst v8  }
0x1fd: {  	v37 =	vld [tilespmem:s19+$0xFFFFFED0];
	[tilespmem:s19+$0xFFFFFE00] =	vst v3;
	v3 =	vmul.f32 v24, v23  }
0x1fe: {  	v39 =	vld [tilespmem:s19+$0xFFFFFEE0];
	v35 =	vmul.f32 v29, v23;
	[tilespmem:s19+$0xFFFFFE50] =	vst v32  }
0x1ff: {  	v40 =	vld [tilespmem:s19+$0xFFFFFEF0];
	[tilespmem:s19+$0xFFFFFE20] =	vst v3;
	v3 =	vmul.f32 v26, v23  }
0x200: {  	v42 =	vld [tilespmem:s19+$0xFFFFFF00];
	v38 =	vmul.f32 v31, v60;
	[tilespmem:s19+$0xFFFFFE70] =	vst v35  }
0x201: {  	v43 =	vld [tilespmem:s19+$0xFFFFFF10];
	[tilespmem:s19+$0xFFFFFE40] =	vst v3;
	v3 =	vmul.f32 v28, v23  }
0x202: {  	v45 =	vld [tilespmem:s19+$0xFFFFFF20];
	v41 =	vmul.f32 v34, v60;
	[tilespmem:s19+$0xFFFFFE90] =	vst v38  }
0x203: {  	v46 =	vld [tilespmem:s19+$0xFFFFFF30];
	[tilespmem:s19+$0xFFFFFE60] =	vst v3;
	v3 =	vmul.f32 v30, v60  }
0x204: {  	v48 =	vld [tilespmem:s19+$0xFFFFFF40];
	v44 =	vmul.f32 v37, v60;
	[tilespmem:s19+$0xFFFFFEB0] =	vst v41  }
0x205: {  	v49 =	vld [tilespmem:s19+$0xFFFFFF50];
	[tilespmem:s19+$0xFFFFFE80] =	vst v3;
	v3 =	vmul.f32 v33, v60  }
0x206: {  	v51 =	vld [tilespmem:s19+$0xFFFFFF60];
	v47 =	vmul.f32 v40, v60;
	[tilespmem:s19+$0xFFFFFED0] =	vst v44  }
0x207: {  	v17 =	vbroadcast v17, $0x0;
	v52 =	vld [tilespmem:s19+$0xFFFFFF70];
	[tilespmem:s19+$0xFFFFFEA0] =	vst v3;
	v3 =	vmul.f32 v36, v60  }
0x208: {  	v13 =	vbroadcast v13, $0x0;
	v54 =	vld [tilespmem:s19+$0xFFFFFF80];
	v50 =	vmul.f32 v43, v12;
	[tilespmem:s19+$0xFFFFFEF0] =	vst v47  }
0x209: {  	v14 =	vbroadcast v14, $0x0;
	v57 =	vld [tilespmem:s19+$0xFFFFFFA0];
	[tilespmem:s19+$0xFFFFFEC0] =	vst v3;
	v3 =	vmul.f32 v39, v60  }
0x20a: {  	v15 =	vbroadcast v15, $0x0;
	v58 =	vld [tilespmem:s19+$0xFFFFFFB0];
	v53 =	vmul.f32 v46, v12;
	[tilespmem:s19+$0xFFFFFF10] =	vst v50  }
0x20b: {  	v20 =	vld [tilespmem:s19+$0xFFFFFE10];
	[tilespmem:s19+$0xFFFFFEE0] =	vst v3;
	v3 =	vmul.f32 v42, v12  }
0x20c: {  	v61 =	vld [tilespmem:s19+$0xFFFFFFD0];
	v56 =	vmul.f32 v49, v12;
	[tilespmem:s19+$0xFFFFFF30] =	vst v53  }
0x20d: {  	v17 =	vld.idx.msk [tilespmem:v17+s6+$0x0], $0xffff;
	[tilespmem:s19+$0xFFFFFF00] =	vst v3;
	v3 =	vmul.f32 v45, v12  }
0x20e: {  	v7 =	vld.idx.msk [tilespmem:v13+s6+$0x0], $0xffff;
	v59 =	vmul.f32 v52, v12;
	[tilespmem:s19+$0xFFFFFF50] =	vst v56  }
0x20f: {  	v6 =	vld.idx.msk [tilespmem:v14+s6+$0x0], $0xffff;
	[tilespmem:s19+$0xFFFFFF20] =	vst v3;
	v3 =	vmul.f32 v48, v12  }
0x210: {  	v5 =	vld.idx.msk [tilespmem:v15+s6+$0x0], $0xffff;
	[tilespmem:s19+$0xFFFFFF70] =	vst v59;
	v13 =	vmul.f32 v20, v23  }
0x211: {  	v37 =	vld [tilespmem:s19+$0xD0];
	[tilespmem:s19+$0xFFFFFF40] =	vst v3;
	v3 =	vmul.f32 v51, v12  }
0x212: {  	v18 =	vmul.f32 v58, v17;
	[tilespmem:s19+$0xFFFFFE10] =	vst v13;
	v60 =	vld [tilespmem:s19+$0xFFFFFFC0]  }
0x213: {  	v43 =	vld [tilespmem:s19+$0x110];
	[tilespmem:s19+$0xFFFFFF60] =	vst v3;
	v3 =	vmul.f32 v54, v17  }
0x214: {  	v63 =	vld [tilespmem:s19+$0xFFFFFFE0];
	v21 =	vmul.f32 v61, v17;
	[tilespmem:s19+$0xFFFFFFB0] =	vst v18  }
0x215: {  	v46 =	vld [tilespmem:s19+$0x130];
	[tilespmem:s19+$0xFFFFFF80] =	vst v3;
	v3 =	vmul.f32 v57, v17  }
0x216: {  	v19 =	vld [tilespmem:s19+$0x0];
	v44 =	vmul.f32 v37, v6;
	[tilespmem:s19+$0xFFFFFFD0] =	vst v21  }
0x217: {  	v32 =	vld [tilespmem:s19+$0x90];
	[tilespmem:s19+$0xFFFFFFA0] =	vst v3;
	v3 =	vmul.f32 v60, v17  }
0x218: {  	v22 =	vld [tilespmem:s19+$0x20];
	v49 =	vmul.f32 v43, v5;
	[tilespmem:s19+$0xD0] =	vst v44  }
0x219: {  	v35 =	vld [tilespmem:s19+$0xB0];
	[tilespmem:s19+$0xFFFFFFC0] =	vst v3;
	v3 =	vmul.f32 v63, v17  }
0x21a: {  	v25 =	vld [tilespmem:s19+$0x40];
	v52 =	vmul.f32 v46, v5;
	[tilespmem:s19+$0x110] =	vst v49  }
0x21b: {  	v62 =	vld [tilespmem:s19+$0x1F0];
	[tilespmem:s19+$0xFFFFFFE0] =	vst v3;
	v3 =	vmul.f32 v19, v7  }
0x21c: {  	v38 =	vmul.f32 v32, v6;
	[tilespmem:s19+$0x130] =	vst v52;
	v28 =	vld [tilespmem:s19+$0x60]  }
0x21d: {  	v55 =	vld [tilespmem:s19+$0xFFFFFF90];
	[tilespmem:s19+$0x0] =	vst v3;
	v3 =	vmul.f32 v22, v7  }
0x21e: {  	v31 =	vld [tilespmem:s19+$0x80];
	v41 =	vmul.f32 v35, v6;
	[tilespmem:s19+$0x90] =	vst v38  }
0x21f: {  	v16 =	vld [tilespmem:s19+$0xFFFFFFF0];
	[tilespmem:s19+$0x20] =	vst v3;
	v3 =	vmul.f32 v25, v7  }
0x220: {  	v34 =	vld [tilespmem:s19+$0xA0];
	v10 =	vmul.f32 v62, v4;
	[tilespmem:s19+$0xB0] =	vst v41  }
0x221: {  	v20 =	vld [tilespmem:s19+$0x10];
	[tilespmem:s19+$0x40] =	vst v3;
	v3 =	vmul.f32 v28, v7  }
0x222: {  	v62 =	vmul.f32 v55, v17;
	[tilespmem:s19+$0x1F0] =	vst v10;
	v36 =	vld [tilespmem:s19+$0xC0]  }
0x223: {  	v26 =	vld [tilespmem:s19+$0x50];
	[tilespmem:s19+$0x60] =	vst v3;
	v3 =	vmul.f32 v31, v6  }
0x224: {  	v24 =	vmul.f32 v16, v17;
	[tilespmem:s19+$0xFFFFFF90] =	vst v62;
	v39 =	vld [tilespmem:s19+$0xE0]  }
0x225: {  	v23 =	vld [tilespmem:s19+$0x30];
	[tilespmem:s19+$0x80] =	vst v3;
	v3 =	vmul.f32 v34, v6  }
0x226: {  	v27 =	vmul.f32 v20, v7;
	[tilespmem:s19+$0xFFFFFFF0] =	vst v24;
	v42 =	vld [tilespmem:s19+$0x100]  }
0x227: {  	v48 =	vld [tilespmem:s19+$0x150];
	[tilespmem:s19+$0xA0] =	vst v3;
	v3 =	vmul.f32 v36, v6  }
0x228: {  	[tilespmem:s19+$0x10] =	vst v27;
	v33 =	vmul.f32 v26, v7;
	v45 =	vld [tilespmem:s19+$0x120]  }
0x229: {  	v54 =	vld [tilespmem:s19+$0x190];
	[tilespmem:s19+$0xC0] =	vst v3;
	v3 =	vmul.f32 v39, v6  }
0x22a: {  	v47 =	vld [tilespmem:s19+$0x140];
	v30 =	vmul.f32 v23, v7;
	[tilespmem:s19+$0x50] =	vst v33  }
0x22b: {  	v59 =	vld [tilespmem:s19+$0x1D0];
	[tilespmem:s19+$0xE0] =	vst v3;
	v3 =	vmul.f32 v42, v5  }
0x22c: {  	v50 =	vld [tilespmem:s19+$0x160];
	[tilespmem:s19+$0x30] =	vst v30;
	v55 =	vmul.f32 v48, v5  }
0x22d: {  	v57 =	vld [tilespmem:s19+$0x1B0];
	[tilespmem:s19+$0x100] =	vst v3;
	v3 =	vmul.f32 v45, v5  }
0x22e: {  	v53 =	vld [tilespmem:s19+$0x180];
	[tilespmem:s19+$0x150] =	vst v55;
	v60 =	vmul.f32 v54, v4  }
0x22f: {  	v29 =	vld [tilespmem:s19+$0x70];
	[tilespmem:s19+$0x120] =	vst v3;
	v3 =	vmul.f32 v47, v5  }
0x230: {  	v56 =	vld [tilespmem:s19+$0x1A0];
	v63 =	vmul.f32 v59, v4;
	[tilespmem:s19+$0x190] =	vst v60  }
0x231: {  	v40 =	vld [tilespmem:s19+$0xF0];
	[tilespmem:s19+$0x140] =	vst v3;
	v3 =	vmul.f32 v50, v5  }
0x232: {  	v58 =	vld [tilespmem:s19+$0x1C0];
	v62 =	vmul.f32 v57, v4;
	[tilespmem:s19+$0x1D0] =	vst v63  }
0x233: {  	v51 =	vld [tilespmem:s19+$0x170];
	[tilespmem:s19+$0x160] =	vst v3;
	v3 =	vmul.f32 v53, v4  }
0x234: {  	v61 =	vld [tilespmem:s19+$0x1E0];
	[tilespmem:s19+$0x1B0] =	vst v62;
	v7 =	vmul.f32 v29, v7  }
0x235: {  	[tilespmem:s19+$0x180] =	vst v3;
	v3 =	vmul.f32 v56, v4  }
0x236: {  	[tilespmem:s19+$0x70] =	vst v7;
	v6 =	vmul.f32 v40, v6  }
0x237: {  	[tilespmem:s19+$0x1A0] =	vst v3;
	v3 =	vmul.f32 v58, v4  }
0x238: {  	[tilespmem:s19+$0xF0] =	vst v6;
	v5 =	vmul.f32 v51, v5  }
0x239: {  	[tilespmem:s19+$0x1C0] =	vst v3;
	v3 =	vmul.f32 v61, v4  }
0x23a: {  	p2 =	seq.s32 s16, $0x3E;
	[tilespmem:s19+$0x170] =	vst v5  }
0x23b: {  	s17 =	sadd.s32 @!p2 s18, s13;
	[tilespmem:s19+$0x1E0] =	vst v3  }
0x23c: {  	[spmem:s2] =	stream.indirect.scatter.add.f32 [tilespmem:s29], [sflag:$0x4], $0x80, s7, s0, $0xb8;
	[tilespmem:$0x1FF40] =	vst v63  }
0x23d: {  	s17 =	smul.u32 @!p2 $0x14, s17;
	_ =	swait.ge [sflag:s31], $0x2800  }
0x23e: {  	s18 =	simm.s32 @!p2 $0x0;
	[sflag:s31] =	ssyncset.done $0x0  }
0x23f: {  	s17 =	sadd.s32 @!p2 s5, s17;
	s19 =	simm.s32 @!p2 $0x4E20;
	[sflag:s31] =	ssyncadd.s32 $0xFFFFD800  }
0x240: {  	[tilespmem:s19], [sflag:$0x4] =	stream.linear.gather @!p2 [hbm4b:s17+s18], $0xA0, $0x38;
	[tilespmem:$0x1FF40] =	vst v63  }
.Ltmp8:
0x241: {  	s17 =	simm.s32 @!p2 $0x4;
	(pc) =	sbr.rel @p1 .LBB2_14-.Ltmp8, $4  }
0x242: {  	_ =	swait.ge @!p2 [sflag:s17], $0xA0  }
0x243: {  	[sflag:s17] =	ssyncset.done @!p2 $0x0  }
0x244: {  	s18 =	simm.s32 @!p2 $0x4FB0;
	[sflag:s17] =	ssyncadd.s32 @!p2 $0xFFFFFF60;
	s17 =	simm.s32 @!p2 $0x50  }
0x245: {  	[tilespmem:s18], [sflag:$0x1] =	stream.indirect.gather @!p2 [hbm4b:s1+s17], $0x80, s19, s17, $0xb8;
	[tilespmem:$0x1FF40] =	vst v63  }
0x246: {  	v3 =	vld [tilespmem:$0x4EC0]  }
0x247: {  	v4 =	vld [tilespmem:$0x4F10];
	_ =	sdelay $0x5  }
0x248: {  	s17 =	simm.s32 $0x0  }
0x249: {  	v3 =	vld.idx.msk [tilespmem:v3+s17+$0x0], $0xffff  }
0x24a: {  	v5 =	vld.idx.msk [tilespmem:v4+s24+$0x0], $0xffff;
	_ =	sdelay $0x4  }
0x24b: {  	v3 =	vadd.f32 v5, v3;
	v5 =	vadd.f32 v5, v2;
	_ =	sdelay $0x1  }
0x24c: {  	v6 =	vmul.f32 $2.000000030e-01, v3;
	v7 =	vmul.f32 $2.000000030e-01, v5;
	_ =	sdelay $0x1  }
0x24d: {  	v3 =	vmax.f32 v3, v6;
	v5 =	vmax.f32 v5, v7  }
0x24e: {  	v3 =	vsub.f32 v3, v5;
	_ =	sdelay $0x1  }
0x24f: {  	v3 =	vmul.f32 $1.442695020e+00, v3;
	_ =	sdelay $0x1  }
0x250: {  	(erf) = vpow2.f32 v3;
	_ =	sdelay $0x8  }
0x251: {  	v3 =	vpop (erf)  }
0x252: {  	[tilespmem:$0x4F60] =	vst v3  }
0x253: {  	[tilespmem:v4+s3+$0x0] =	vst.idx.add.f32.msk $0xffff, v3  }
0x254: {  	v3 =	vld [tilespmem:$0x4ED0]  }
0x255: {  	v4 =	vld [tilespmem:$0x4F20];
	_ =	sdelay $0x6  }
0x256: {  	v3 =	vld.idx.msk [tilespmem:v3+s17+$0x0], $0xffff  }
0x257: {  	v5 =	vld.idx.msk [tilespmem:v4+s24+$0x0], $0xffff;
	_ =	sdelay $0x4  }
0x258: {  	v3 =	vadd.f32 v5, v3;
	v5 =	vadd.f32 v5, v2;
	_ =	sdelay $0x1  }
0x259: {  	v6 =	vmul.f32 $2.000000030e-01, v3;
	v7 =	vmul.f32 $2.000000030e-01, v5;
	_ =	sdelay $0x1  }
0x25a: {  	v3 =	vmax.f32 v3, v6;
	v5 =	vmax.f32 v5, v7  }
0x25b: {  	v3 =	vsub.f32 v3, v5;
	_ =	sdelay $0x1  }
0x25c: {  	v3 =	vmul.f32 $1.442695020e+00, v3;
	_ =	sdelay $0x1  }
0x25d: {  	(erf) = vpow2.f32 v3;
	_ =	sdelay $0x8  }
0x25e: {  	v3 =	vpop (erf)  }
0x25f: {  	[tilespmem:$0x4F70] =	vst v3  }
0x260: {  	[tilespmem:v4+s3+$0x0] =	vst.idx.add.f32.msk $0xffff, v3  }
0x261: {  	v3 =	vld [tilespmem:$0x4EE0]  }
0x262: {  	v4 =	vld [tilespmem:$0x4F30];
	_ =	sdelay $0x6  }
0x263: {  	v3 =	vld.idx.msk [tilespmem:v3+s17+$0x0], $0xffff  }
0x264: {  	v5 =	vld.idx.msk [tilespmem:v4+s24+$0x0], $0xffff;
	_ =	sdelay $0x4  }
0x265: {  	v3 =	vadd.f32 v5, v3;
	v5 =	vadd.f32 v5, v2;
	_ =	sdelay $0x1  }
0x266: {  	v6 =	vmul.f32 $2.000000030e-01, v3;
	v7 =	vmul.f32 $2.000000030e-01, v5;
	_ =	sdelay $0x1  }
0x267: {  	v3 =	vmax.f32 v3, v6;
	v5 =	vmax.f32 v5, v7  }
0x268: {  	v3 =	vsub.f32 v3, v5;
	_ =	sdelay $0x1  }
0x269: {  	v3 =	vmul.f32 $1.442695020e+00, v3;
	_ =	sdelay $0x1  }
0x26a: {  	(erf) = vpow2.f32 v3;
	_ =	sdelay $0x8  }
0x26b: {  	v3 =	vpop (erf)  }
0x26c: {  	[tilespmem:$0x4F80] =	vst v3  }
0x26d: {  	[tilespmem:v4+s3+$0x0] =	vst.idx.add.f32.msk $0xffff, v3  }
0x26e: {  	v3 =	vld [tilespmem:$0x4EF0]  }
0x26f: {  	v4 =	vld [tilespmem:$0x4F40];
	_ =	sdelay $0x6  }
0x270: {  	v3 =	vld.idx.msk [tilespmem:v3+s17+$0x0], $0xffff  }
0x271: {  	v5 =	vld.idx.msk [tilespmem:v4+s24+$0x0], $0xffff;
	_ =	sdelay $0x4  }
0x272: {  	v3 =	vadd.f32 v5, v3;
	v5 =	vadd.f32 v5, v2;
	_ =	sdelay $0x1  }
0x273: {  	v6 =	vmul.f32 $2.000000030e-01, v3;
	v7 =	vmul.f32 $2.000000030e-01, v5;
	_ =	sdelay $0x1  }
0x274: {  	v3 =	vmax.f32 v3, v6;
	v5 =	vmax.f32 v5, v7  }
0x275: {  	v3 =	vsub.f32 v3, v5;
	_ =	sdelay $0x1  }
0x276: {  	v3 =	vmul.f32 $1.442695020e+00, v3;
	_ =	sdelay $0x1  }
0x277: {  	(erf) = vpow2.f32 v3;
	_ =	sdelay $0x8  }
0x278: {  	v3 =	vpop (erf)  }
0x279: {  	[tilespmem:$0x4F90] =	vst v3  }
0x27a: {  	[tilespmem:v4+s3+$0x0] =	vst.idx.add.f32.msk $0xffff, v3  }
0x27b: {  	v3 =	vld [tilespmem:$0x4F00]  }
0x27c: {  	v4 =	vld [tilespmem:$0x4F50];
	_ =	sdelay $0x6  }
0x27d: {  	v3 =	vld.idx.msk [tilespmem:v3+s17+$0x0], $0xffff  }
0x27e: {  	v5 =	vld.idx.msk [tilespmem:v4+s24+$0x0], $0xffff;
	_ =	sdelay $0x4  }
0x27f: {  	v3 =	vadd.f32 v5, v3;
	v5 =	vadd.f32 v5, v2;
	_ =	sdelay $0x1  }
0x280: {  	v6 =	vmul.f32 $2.000000030e-01, v3;
	v7 =	vmul.f32 $2.000000030e-01, v5;
	_ =	sdelay $0x1  }
0x281: {  	v3 =	vmax.f32 v3, v6;
	v5 =	vmax.f32 v5, v7  }
0x282: {  	v3 =	vsub.f32 v3, v5;
	_ =	sdelay $0x1  }
0x283: {  	v3 =	vmul.f32 $1.442695020e+00, v3;
	_ =	sdelay $0x1  }
0x284: {  	(erf) = vpow2.f32 v3;
	_ =	sdelay $0x4  }
0x285: {  	s18 =	simm.s32 $0x1  }
0x286: {  	v5 =	vmov s18;
	v3 =	vmov s17  }
0x287: {  	v5 =	vshrl.u32 v5, $0x3;
	v3 =	vshrl.u32 v3, $0x3  }
0x288: {  	v5 =	vshll.u32 v5, v1;
	v3 =	vshll.u32 v3, v1  }
0x289: {  	v5 =	vadd.s32 $0x1, v5;
	v3 =	vbroadcast v3, $0x0;
	v7 =	vpop (erf)  }
0x28a: {  	s20 =	simm.s32 $0x7;
	v5 =	vbroadcast v5, $0x0;
	[tilespmem:$0x4FA0] =	vst v7  }
0x28b: {  	v6 =	vmov s20;
	[tilespmem:v4+s3+$0x0] =	vst.idx.add.f32.msk $0xffff, v7  }
0x28c: {  	v6 =	vshrl.u32 v6, $0x3;
	_ =	swait.ge [sflag:s28], $0x2800  }
0x28d: {  	v6 =	vshll.u32 v6, v1;
	[sflag:s28] =	ssyncset.done $0x0  }
0x28e: {  	v6 =	vadd.s32 $0x7, v6;
	[sflag:s28] =	ssyncadd.s32 $0xFFFFD800  }
0x28f: {  	v4 =	vbroadcast v6, $0x0;
	v6 =	vld.idx.msk [tilespmem:v3+s6+$0x0], $0xffff  }
0x290: {  	s17 =	simm.s32 $0x79B0;
	v5 =	vld.idx.msk [tilespmem:v5+s6+$0x0], $0xffff  }
0x291: {  	v7 =	vld [tilespmem:s17+$0xFFFFFE10]  }
0x292: {  	v8 =	vld [tilespmem:s17+$0xFFFFFE20]  }
0x293: {  	v9 =	vld [tilespmem:s17+$0xFFFFFE30]  }
0x294: {  	v10 =	vld [tilespmem:s17+$0xFFFFFE40]  }
0x295: {  	v11 =	vld [tilespmem:s17+$0xFFFFFE50]  }
0x296: {  	v13 =	vld [tilespmem:s17+$0xFFFFFE60]  }
0x297: {  	v14 =	vld [tilespmem:s17+$0x1F0]  }
0x298: {  	v3 =	vld.idx.msk [tilespmem:v4+s6+$0x0], $0xffff  }
0x299: {  	v4 =	vld [tilespmem:s17+$0xFFFFFE00]  }
0x29a: {  	v15 =	vld [tilespmem:s17+$0xFFFFFE80]  }
0x29b: {  	v18 =	vld [tilespmem:s17+$0xFFFFFEB0]  }
0x29c: {  	v16 =	vld [tilespmem:s17+$0xFFFFFE90];
	v7 =	vmul.f32 v7, v6  }
0x29d: {  	s21 =	simm.s32 $0x2;
	v17 =	vld [tilespmem:s17+$0xFFFFFEA0];
	v8 =	vmul.f32 v8, v6  }
0x29e: {  	v12 =	vmov s21;
	v19 =	vld [tilespmem:s17+$0xFFFFFEC0];
	v4 =	vmul.f32 v4, v6;
	[tilespmem:s17+$0xFFFFFE10] =	vst v7  }
0x29f: {  	v12 =	vshrl.u32 v12, $0x3;
	v9 =	vmul.f32 v9, v6;
	v7 =	vld [tilespmem:s17+$0xFFFFFEE0];
	[tilespmem:s17+$0xFFFFFE20] =	vst v8  }
0x2a0: {  	v18 =	vmul.f32 v18, v5;
	v8 =	vmul.f32 v10, v6;
	v10 =	vld [tilespmem:s17+$0xFFFFFEF0];
	[tilespmem:s17+$0xFFFFFE00] =	vst v4;
	v4 =	vshll.u32 v12, v1  }
0x2a1: {  	v14 =	vmul.f32 v14, v3;
	[tilespmem:s17+$0xFFFFFE30] =	vst v9;
	v9 =	vmul.f32 v11, v6;
	v11 =	vld [tilespmem:s17+$0xFFFFFF00];
	v4 =	vadd.s32 $0x2, v4  }
0x2a2: {  	s19 =	simm.s32 $0x3;
	[tilespmem:s17+$0xFFFFFEB0] =	vst v18;
	v18 =	vld [tilespmem:s17+$0xFFFFFF80];
	v4 =	vbroadcast v4, $0x0  }
0x2a3: {  	v20 =	vmov s19;
	v12 =	vld [tilespmem:s17+$0xFFFFFE70];
	[tilespmem:s17+$0x1F0] =	vst v14;
	v14 =	vmul.f32 v15, v5  }
0x2a4: {  	v20 =	vshrl.u32 v20, $0x3;
	v15 =	vld [tilespmem:s17+$0xFFFFFED0];
	[tilespmem:s17+$0xFFFFFE40] =	vst v8  }
0x2a5: {  	v8 =	vmul.f32 v13, v6;
	v13 =	vld [tilespmem:s17+$0xFFFFFF10];
	[tilespmem:s17+$0xFFFFFE80] =	vst v14;
	v14 =	vshll.u32 v20, v1  }
0x2a6: {  	v19 =	vmul.f32 v19, v5;
	[tilespmem:s17+$0xFFFFFE50] =	vst v9;
	v9 =	vld [tilespmem:s17+$0xFFFFFF20];
	v14 =	vadd.s32 $0x3, v14  }
0x2a7: {  	[tilespmem:s17+$0xFFFFFE60] =	vst v8;
	v8 =	vmul.f32 v16, v5;
	v16 =	vld [tilespmem:s17+$0xFFFFFF40];
	v14 =	vbroadcast v14, $0x0  }
0x2a8: {  	[tilespmem:s17+$0xFFFFFEC0] =	vst v19;
	v6 =	vmul.f32 v12, v6;
	v4 =	vld.idx.msk [tilespmem:v4+s6+$0x0], $0xffff  }
0x2a9: {  	v7 =	vmul.f32 v7, v5;
	[tilespmem:s17+$0xFFFFFE90] =	vst v8;
	v12 =	vld [tilespmem:s17+$0xFFFFFF30];
	v15 =	vmul.f32 v15, v5  }
0x2aa: {  	[tilespmem:s17+$0xFFFFFE70] =	vst v6;
	v6 =	vmul.f32 v17, v5;
	v5 =	vmul.f32 v10, v5;
	v10 =	vld [tilespmem:s17+$0xFFFFFF90]  }
0x2ab: {  	[tilespmem:s17+$0xFFFFFED0] =	vst v15;
	v15 =	vld [tilespmem:s17+$0xFFFFFFD0]  }
0x2ac: {  	[tilespmem:s17+$0xFFFFFEA0] =	vst v6;
	v6 =	vld [tilespmem:s17+$0xFFFFFF60]  }
0x2ad: {  	s20 =	simm.s32 $0x4;
	[tilespmem:s17+$0xFFFFFEE0] =	vst v7;
	v14 =	vld.idx.msk [tilespmem:v14+s6+$0x0], $0xffff;
	v8 =	vmul.f32 v11, v4  }
0x2ae: {  	v17 =	vmov s20;
	[tilespmem:s17+$0xFFFFFEF0] =	vst v5;
	v11 =	vld [tilespmem:s17+$0xFFFFFF50];
	v7 =	vmul.f32 v13, v4  }
0x2af: {  	v17 =	vshrl.u32 v17, $0x3;
	v13 =	vld [tilespmem:s17+$0xFFFFFFA0];
	v5 =	vmul.f32 v9, v4;
	[tilespmem:s17+$0xFFFFFF00] =	vst v8  }
0x2b0: {  	v9 =	vld [tilespmem:s17+$0xFFFFFFB0];
	v16 =	vmul.f32 v16, v4;
	v8 =	vshll.u32 v17, v1;
	[tilespmem:s17+$0xFFFFFF10] =	vst v7  }
0x2b1: {  	s21 =	simm.s32 $0x5;
	v6 =	vmul.f32 v6, v4;
	v17 =	vld [tilespmem:s17+$0xFFFFFF70];
	v7 =	vmul.f32 v12, v4;
	[tilespmem:s17+$0xFFFFFF20] =	vst v5;
	v8 =	vadd.s32 $0x4, v8  }
0x2b2: {  	v12 =	vld [tilespmem:s17+$0xFFFFFFC0];
	v5 =	vmul.f32 v18, v14;
	v18 =	vmov s21;
	[tilespmem:s17+$0xFFFFFF40] =	vst v16;
	v8 =	vbroadcast v8, $0x0  }
0x2b3: {  	v16 =	vld [tilespmem:s17+$0xFFFFFFF0];
	v18 =	vshrl.u32 v18, $0x3;
	[tilespmem:s17+$0xFFFFFF60] =	vst v6  }
0x2b4: {  	v15 =	vmul.f32 v15, v14;
	v6 =	vmul.f32 v10, v14;
	v10 =	vld [tilespmem:s17+$0x10];
	[tilespmem:s17+$0xFFFFFF80] =	vst v5;
	v5 =	vshll.u32 v18, v1  }
0x2b5: {  	[tilespmem:s17+$0xFFFFFF30] =	vst v7;
	v7 =	vld [tilespmem:s17+$0xFFFFFFE0];
	v11 =	vmul.f32 v11, v4;
	v5 =	vadd.s32 $0x5, v5  }
0x2b6: {  	[tilespmem:s17+$0xFFFFFFD0] =	vst v15;
	v15 =	vld [tilespmem:s17+$0x70];
	v5 =	vbroadcast v5, $0x0  }
0x2b7: {  	[tilespmem:s17+$0xFFFFFF50] =	vst v11;
	v4 =	vmul.f32 v17, v4;
	v11 =	vld [tilespmem:s17+$0x0]  }
0x2b8: {  	[tilespmem:s17+$0xFFFFFF90] =	vst v6;
	v6 =	vmul.f32 v9, v14;
	v8 =	vld.idx.msk [tilespmem:v8+s6+$0x0], $0xffff  }
0x2b9: {  	v9 =	vld [tilespmem:s17+$0x30];
	[tilespmem:s17+$0xFFFFFF70] =	vst v4;
	v4 =	vmul.f32 v13, v14  }
0x2ba: {  	[tilespmem:s17+$0xFFFFFFB0] =	vst v6;
	v13 =	vld [tilespmem:s17+$0x20];
	v7 =	vmul.f32 v7, v14  }
0x2bb: {  	[tilespmem:s17+$0xFFFFFFA0] =	vst v4;
	v4 =	vmul.f32 v12, v14;
	v12 =	vld [tilespmem:s17+$0x40]  }
0x2bc: {  	v14 =	vmul.f32 v16, v14;
	[tilespmem:s17+$0xFFFFFFE0] =	vst v7;
	v5 =	vld.idx.msk [tilespmem:v5+s6+$0x0], $0xffff  }
0x2bd: {  	s19 =	simm.s32 $0x6;
	[tilespmem:s17+$0xFFFFFFC0] =	vst v4;
	v4 =	vld [tilespmem:s17+$0x60];
	v6 =	vmul.f32 v11, v8  }
0x2be: {  	v17 =	vmov s19;
	[tilespmem:s17+$0xFFFFFFF0] =	vst v14;
	v14 =	vld [tilespmem:s17+$0x90];
	v7 =	vmul.f32 v10, v8  }
0x2bf: {  	v17 =	vshrl.u32 v17, $0x3;
	v10 =	vld [tilespmem:s17+$0x80];
	v13 =	vmul.f32 v13, v8;
	[tilespmem:s17+$0x0] =	vst v6  }
0x2c0: {  	v11 =	vld [tilespmem:s17+$0x50];
	v12 =	vmul.f32 v12, v8;
	v6 =	vshll.u32 v17, v1;
	[tilespmem:s17+$0x10] =	vst v7  }
0x2c1: {  	v7 =	vmul.f32 v9, v8;
	v9 =	vld [tilespmem:s17+$0xA0];
	[tilespmem:s17+$0x20] =	vst v13;
	v6 =	vadd.s32 $0x6, v6  }
0x2c2: {  	v13 =	vld [tilespmem:s17+$0xB0];
	[tilespmem:s17+$0x40] =	vst v12;
	v16 =	vmul.f32 v4, v8;
	v6 =	vbroadcast v6, $0x0  }
0x2c3: {  	v12 =	vld [tilespmem:s17+$0xD0];
	v14 =	vmul.f32 v14, v5;
	[tilespmem:s17+$0x30] =	vst v7  }
0x2c4: {  	v10 =	vmul.f32 v10, v5;
	[tilespmem:s17+$0x60] =	vst v16  }
0x2c5: {  	s20 =	simm.s32 $0x8;
	s21 =	simm.s32 $0x9;
	v7 =	vmul.f32 v11, v8;
	v11 =	vld [tilespmem:s17+$0xC0];
	[tilespmem:s17+$0x90] =	vst v14  }
0x2c6: {  	v17 =	vmov s20;
	v16 =	vld [tilespmem:s17+$0xF0];
	[tilespmem:s17+$0x80] =	vst v10;
	v10 =	vmov s21  }
0x2c7: {  	[tilespmem:s17+$0x50] =	vst v7;
	v7 =	vld [tilespmem:s17+$0xE0];
	v9 =	vmul.f32 v9, v5;
	v13 =	vmul.f32 v13, v5;
	v10 =	vshrl.u32 v10, $0x3  }
0x2c8: {  	s19 =	simm.s32 $0xA;
	s21 =	simm.s32 $0xC;
	v12 =	vmul.f32 v12, v5;
	v10 =	vshll.u32 v10, v1;
	v4 =	vld.idx.msk [tilespmem:v6+s6+$0x0], $0xffff;
	v6 =	vmul.f32 v15, v8  }
0x2c9: {  	v18 =	vld [tilespmem:s17+$0x100];
	[tilespmem:s17+$0xA0] =	vst v9;
	v8 =	vshrl.u32 v17, $0x3;
	v15 =	vmov s19;
	v17 =	vmov s21;
	s21 =	simm.s32 $0xE  }
0x2ca: {  	v14 =	vld [tilespmem:s17+$0x110];
	[tilespmem:s17+$0xB0] =	vst v13;
	v9 =	vmul.f32 v11, v5;
	v10 =	vadd.s32 $0x1, v10;
	v20 =	vmov s21  }
0x2cb: {  	s20 =	simm.s32 $0xB;
	v11 =	vld [tilespmem:s17+$0x120];
	[tilespmem:s17+$0xD0] =	vst v12;
	v8 =	vshll.u32 v8, v1;
	v15 =	vshrl.u32 v15, $0x3;
	v17 =	vshrl.u32 v17, $0x3  }
0x2cc: {  	v13 =	vld [tilespmem:s17+$0x130];
	[tilespmem:s17+$0x70] =	vst v6;
	v6 =	vmov s20;
	s20 =	simm.s32 $0xD;
	v7 =	vmul.f32 v7, v5;
	v5 =	vmul.f32 v16, v5  }
0x2cd: {  	[tilespmem:s17+$0xC0] =	vst v9;
	v9 =	vld [tilespmem:s17+$0x140];
	v15 =	vshll.u32 v15, v1;
	v19 =	vmov s20;
	v21 =	vshrl.u32 v6, $0x3  }
0x2ce: {  	v16 =	vld [tilespmem:s17+$0x150];
	v6 =	vbroadcast v8, $0x0;
	v15 =	vadd.s32 $0x2, v15;
	[tilespmem:s17+$0xE0] =	vst v7;
	v12 =	vmul.f32 v18, v4  }
0x2cf: {  	v8 =	vshrl.u32 v19, $0x3;
	v19 =	vld [tilespmem:s17+$0x160];
	v7 =	vshll.u32 v21, v1;
	[tilespmem:s17+$0xF0] =	vst v5;
	v14 =	vmul.f32 v14, v4  }
0x2d0: {  	v5 =	vld [tilespmem:s17+$0x170];
	v18 =	vshrl.u32 v20, $0x3;
	v20 =	vshll.u32 v17, v1;
	v11 =	vmul.f32 v11, v4;
	[tilespmem:s17+$0x100] =	vst v12  }
0x2d1: {  	v63 =	vmul.f32 v13, v4;
	v17 =	vadd.s32 $0x3, v7;
	v12 =	vshll.u32 v8, v1;
	[tilespmem:s17+$0x110] =	vst v14;
	v8 =	vld [tilespmem:s17+$0x180]  }
0x2d2: {  	v7 =	vbroadcast v10, $0x0;
	v18 =	vshll.u32 v18, v1;
	[tilespmem:s17+$0x120] =	vst v11;
	v11 =	vmul.f32 v9, v4;
	v9 =	vld [tilespmem:s17+$0x190]  }
0x2d3: {  	v10 =	vld [tilespmem:s17+$0x1A0];
	v13 =	vadd.s32 $0x4, v20;
	[tilespmem:s17+$0x130] =	vst v63;
	v16 =	vmul.f32 v16, v4;
	v14 =	vadd.s32 $0x5, v12  }
0x2d4: {  	s18 =	simm.s32 $0x10;
	s19 =	simm.s32 $0xF;
	v12 =	vbroadcast v15, $0x0;
	v15 =	vadd.s32 $0x6, v18;
	[tilespmem:s17+$0x140] =	vst v11;
	v18 =	vmul.f32 v19, v4;
	v11 =	vld [tilespmem:s17+$0x1B0]  }
.LBB2_12:
0x2d5: {  	p1 =	slt.u32 s18, $0x48;
	v17 =	vbroadcast v17, $0x0;
	v19 =	vmov s19;
	[tilespmem:s17+$0x150] =	vst v16;
	v4 =	vmul.f32 v5, v4;
	v5 =	vld [tilespmem:s17+$0x1C0]  }
0x2d6: {  	v13 =	vbroadcast v13, $0x0;
	v16 =	vshrl.u32 v19, $0x3;
	[tilespmem:s17+$0x160] =	vst v18;
	v8 =	vmul.f32 v8, v3;
	v18 =	vld [tilespmem:s17+$0x1D0]  }
0x2d7: {  	v14 =	vbroadcast v14, $0x0;
	v16 =	vshll.u32 v16, v1;
	[tilespmem:s17+$0x170] =	vst v4;
	v4 =	vmul.f32 v9, v3;
	v9 =	vld [tilespmem:s17+$0x1E0]  }
0x2d8: {  	v15 =	vbroadcast v15, $0x0;
	v19 =	vld.idx.msk [tilespmem:v6+s6+$0x0], $0xffff;
	v6 =	vadd.s32 $0x7, v16;
	[tilespmem:s17+$0x180] =	vst v8;
	v8 =	vmul.f32 v10, v3  }
0x2d9: {  	v10 =	vld.idx.msk [tilespmem:v7+s6+$0x0], $0xffff;
	v16 =	vbroadcast v6, $0x0;
	[tilespmem:s17+$0x190] =	vst v4;
	v4 =	vmul.f32 v11, v3  }
0x2da: {  	v11 =	vld.idx.msk [tilespmem:v12+s6+$0x0], $0xffff;
	[tilespmem:s17+$0x1A0] =	vst v8;
	v5 =	vmul.f32 v5, v3  }
0x2db: {  	v7 =	vld.idx.msk [tilespmem:v17+s6+$0x0], $0xffff;
	[tilespmem:s17+$0x1B0] =	vst v4;
	v4 =	vmul.f32 v18, v3  }
0x2dc: {  	v6 =	vld.idx.msk [tilespmem:v13+s6+$0x0], $0xffff;
	[tilespmem:s17+$0x1C0] =	vst v5;
	v3 =	vmul.f32 v9, v3  }
0x2dd: {  	v5 =	vld.idx.msk [tilespmem:v14+s6+$0x0], $0xffff;
	[tilespmem:s17+$0x1D0] =	vst v4  }
0x2de: {  	v4 =	vld.idx.msk [tilespmem:v15+s6+$0x0], $0xffff;
	[tilespmem:s17+$0x1E0] =	vst v3  }
0x2df: {  	s17 =	sadd.s32 $0x400, s17;
	v3 =	vld.idx.msk [tilespmem:v16+s6+$0x0], $0xffff  }
0x2e0: {  	v8 =	vld [tilespmem:s17+$0x1F0]  }
0x2e1: {  	v9 =	vld [tilespmem:s17+$0xFFFFFE00]  }
0x2e2: {  	v12 =	vld [tilespmem:s17+$0xFFFFFE10]  }
0x2e3: {  	v13 =	vld [tilespmem:s17+$0xFFFFFE20]  }
0x2e4: {  	v14 =	vld [tilespmem:s17+$0xFFFFFE30]  }
0x2e5: {  	v15 =	vld [tilespmem:s17+$0xFFFFFE40];
	v8 =	vmul.f32 v8, v3  }
0x2e6: {  	v9 =	vmul.f32 v9, v19;
	v16 =	vld [tilespmem:s17+$0xFFFFFE50]  }
0x2e7: {  	v12 =	vmul.f32 v12, v19;
	v17 =	vld [tilespmem:s17+$0xFFFFFE60];
	[tilespmem:s17+$0x1F0] =	vst v8  }
0x2e8: {  	[tilespmem:s17+$0xFFFFFE00] =	vst v9;
	v8 =	vmul.f32 v13, v19;
	v9 =	vld [tilespmem:s17+$0xFFFFFE70]  }
0x2e9: {  	[tilespmem:s17+$0xFFFFFE10] =	vst v12;
	v12 =	vmul.f32 v14, v19;
	v13 =	vld [tilespmem:s17+$0xFFFFFE80]  }
0x2ea: {  	[tilespmem:s17+$0xFFFFFE20] =	vst v8;
	v8 =	vmul.f32 v15, v19;
	v14 =	vld [tilespmem:s17+$0xFFFFFE90]  }
0x2eb: {  	[tilespmem:s17+$0xFFFFFE30] =	vst v12;
	v12 =	vmul.f32 v16, v19;
	v15 =	vld [tilespmem:s17+$0xFFFFFEA0]  }
0x2ec: {  	[tilespmem:s17+$0xFFFFFE40] =	vst v8;
	v8 =	vmul.f32 v17, v19;
	v16 =	vld [tilespmem:s17+$0xFFFFFEB0]  }
0x2ed: {  	[tilespmem:s17+$0xFFFFFE50] =	vst v12;
	v9 =	vmul.f32 v9, v19;
	v12 =	vld [tilespmem:s17+$0xFFFFFEC0]  }
0x2ee: {  	[tilespmem:s17+$0xFFFFFE60] =	vst v8;
	v8 =	vmul.f32 v13, v10;
	v13 =	vld [tilespmem:s17+$0xFFFFFED0]  }
0x2ef: {  	[tilespmem:s17+$0xFFFFFE70] =	vst v9;
	v9 =	vmul.f32 v14, v10;
	v14 =	vld [tilespmem:s17+$0xFFFFFEE0]  }
0x2f0: {  	[tilespmem:s17+$0xFFFFFE80] =	vst v8;
	v8 =	vmul.f32 v15, v10;
	v15 =	vld [tilespmem:s17+$0xFFFFFEF0]  }
0x2f1: {  	[tilespmem:s17+$0xFFFFFE90] =	vst v9;
	v9 =	vmul.f32 v16, v10;
	v16 =	vld [tilespmem:s17+$0xFFFFFF00]  }
0x2f2: {  	[tilespmem:s17+$0xFFFFFEA0] =	vst v8;
	v8 =	vmul.f32 v12, v10;
	v12 =	vld [tilespmem:s17+$0xFFFFFF10]  }
0x2f3: {  	[tilespmem:s17+$0xFFFFFEB0] =	vst v9;
	v9 =	vmul.f32 v13, v10;
	v13 =	vld [tilespmem:s17+$0xFFFFFF20]  }
0x2f4: {  	[tilespmem:s17+$0xFFFFFEC0] =	vst v8;
	v8 =	vmul.f32 v14, v10;
	v14 =	vld [tilespmem:s17+$0xFFFFFF30]  }
0x2f5: {  	[tilespmem:s17+$0xFFFFFED0] =	vst v9;
	v9 =	vmul.f32 v15, v10;
	v10 =	vld [tilespmem:s17+$0xFFFFFF40]  }
0x2f6: {  	[tilespmem:s17+$0xFFFFFEE0] =	vst v8;
	v8 =	vmul.f32 v16, v11;
	v15 =	vld [tilespmem:s17+$0xFFFFFF50]  }
0x2f7: {  	[tilespmem:s17+$0xFFFFFEF0] =	vst v9;
	v9 =	vmul.f32 v12, v11;
	v12 =	vld [tilespmem:s17+$0xFFFFFF60]  }
0x2f8: {  	[tilespmem:s17+$0xFFFFFF00] =	vst v8;
	v8 =	vmul.f32 v13, v11;
	v13 =	vld [tilespmem:s17+$0xFFFFFF70]  }
0x2f9: {  	[tilespmem:s17+$0xFFFFFF10] =	vst v9;
	v9 =	vmul.f32 v14, v11;
	v14 =	vld [tilespmem:s17+$0xFFFFFF80]  }
0x2fa: {  	[tilespmem:s17+$0xFFFFFF20] =	vst v8;
	v8 =	vmul.f32 v10, v11;
	v10 =	vld [tilespmem:s17+$0xFFFFFF90]  }
0x2fb: {  	[tilespmem:s17+$0xFFFFFF30] =	vst v9;
	v9 =	vmul.f32 v15, v11;
	v15 =	vld [tilespmem:s17+$0xFFFFFFA0]  }
0x2fc: {  	[tilespmem:s17+$0xFFFFFF40] =	vst v8;
	v8 =	vmul.f32 v12, v11;
	v12 =	vld [tilespmem:s17+$0xFFFFFFB0]  }
0x2fd: {  	[tilespmem:s17+$0xFFFFFF50] =	vst v9;
	v9 =	vmul.f32 v13, v11;
	v11 =	vld [tilespmem:s17+$0xFFFFFFC0]  }
0x2fe: {  	[tilespmem:s17+$0xFFFFFF60] =	vst v8;
	v8 =	vmul.f32 v14, v7;
	v13 =	vld [tilespmem:s17+$0xFFFFFFD0]  }
0x2ff: {  	[tilespmem:s17+$0xFFFFFF70] =	vst v9;
	v9 =	vmul.f32 v10, v7;
	v10 =	vld [tilespmem:s17+$0xFFFFFFE0]  }
0x300: {  	[tilespmem:s17+$0xFFFFFF80] =	vst v8;
	v8 =	vmul.f32 v15, v7;
	v14 =	vld [tilespmem:s17+$0xFFFFFFF0]  }
0x301: {  	[tilespmem:s17+$0xFFFFFF90] =	vst v9;
	v9 =	vmul.f32 v12, v7;
	v12 =	vld [tilespmem:s17+$0x0]  }
0x302: {  	[tilespmem:s17+$0xFFFFFFA0] =	vst v8;
	v8 =	vmul.f32 v11, v7;
	v11 =	vld [tilespmem:s17+$0x10]  }
0x303: {  	[tilespmem:s17+$0xFFFFFFB0] =	vst v9;
	v9 =	vmul.f32 v13, v7;
	v13 =	vld [tilespmem:s17+$0x20]  }
0x304: {  	[tilespmem:s17+$0xFFFFFFC0] =	vst v8;
	v8 =	vmul.f32 v10, v7;
	v10 =	vld [tilespmem:s17+$0x30]  }
0x305: {  	[tilespmem:s17+$0xFFFFFFD0] =	vst v9;
	v7 =	vmul.f32 v14, v7;
	v9 =	vld [tilespmem:s17+$0x40]  }
0x306: {  	[tilespmem:s17+$0xFFFFFFE0] =	vst v8;
	v8 =	vmul.f32 v12, v6;
	v12 =	vld [tilespmem:s17+$0x50]  }
0x307: {  	[tilespmem:s17+$0xFFFFFFF0] =	vst v7;
	v7 =	vmul.f32 v11, v6;
	v11 =	vld [tilespmem:s17+$0x60]  }
0x308: {  	[tilespmem:s17+$0x0] =	vst v8;
	v8 =	vmul.f32 v13, v6;
	v13 =	vld [tilespmem:s17+$0x70]  }
0x309: {  	[tilespmem:s17+$0x10] =	vst v7;
	v7 =	vmul.f32 v10, v6;
	v10 =	vld [tilespmem:s17+$0x80]  }
0x30a: {  	[tilespmem:s17+$0x20] =	vst v8;
	v8 =	vmul.f32 v9, v6;
	v9 =	vld [tilespmem:s17+$0x90]  }
0x30b: {  	[tilespmem:s17+$0x30] =	vst v7;
	v7 =	vmul.f32 v12, v6;
	v12 =	vld [tilespmem:s17+$0xA0]  }
0x30c: {  	[tilespmem:s17+$0x40] =	vst v8;
	v8 =	vmul.f32 v11, v6;
	v11 =	vld [tilespmem:s17+$0xB0]  }
0x30d: {  	v14 =	vmov s18;
	[tilespmem:s17+$0x50] =	vst v7;
	v6 =	vmul.f32 v13, v6;
	v7 =	vld [tilespmem:s17+$0xC0]  }
0x30e: {  	s19 =	sadd.s32 $0x1, s18;
	s20 =	sadd.s32 $0x2, s18;
	v13 =	vshrl.u32 v14, $0x3;
	[tilespmem:s17+$0x60] =	vst v8;
	v8 =	vmul.f32 v10, v5;
	v10 =	vld [tilespmem:s17+$0xD0]  }
0x30f: {  	v15 =	vmov s20;
	s20 =	sadd.s32 $0x4, s18;
	v14 =	vmov s19;
	s19 =	sadd.s32 $0x3, s18;
	[tilespmem:s17+$0x70] =	vst v6;
	v6 =	vmul.f32 v9, v5;
	v9 =	vld [tilespmem:s17+$0xE0]  }
0x310: {  	v17 =	vmov s20;
	s20 =	sadd.s32 $0x6, s18;
	v16 =	vmov s19;
	s19 =	sadd.s32 $0x5, s18;
	[tilespmem:s17+$0x80] =	vst v8;
	v8 =	vmul.f32 v12, v5;
	v12 =	vld [tilespmem:s17+$0xF0]  }
0x311: {  	v19 =	vmov s20;
	v18 =	vmov s19;
	[tilespmem:s17+$0x90] =	vst v6;
	v6 =	vmul.f32 v11, v5;
	v11 =	vld [tilespmem:s17+$0x100]  }
0x312: {  	v13 =	vshll.u32 v13, v1;
	v14 =	vshrl.u32 v14, $0x3;
	[tilespmem:s17+$0xA0] =	vst v8;
	v7 =	vmul.f32 v7, v5;
	v8 =	vld [tilespmem:s17+$0x110]  }
0x313: {  	v15 =	vshrl.u32 v15, $0x3;
	v16 =	vshrl.u32 v16, $0x3;
	[tilespmem:s17+$0xB0] =	vst v6;
	v10 =	vmul.f32 v10, v5;
	v20 =	vld [tilespmem:s17+$0x120]  }
0x314: {  	v17 =	vshrl.u32 v17, $0x3;
	v18 =	vshrl.u32 v18, $0x3;
	[tilespmem:s17+$0xC0] =	vst v7;
	v7 =	vmul.f32 v9, v5;
	v9 =	vld [tilespmem:s17+$0x130]  }
0x315: {  	v6 =	vbroadcast v13, $0x0;
	v13 =	vshrl.u32 v19, $0x3;
	[tilespmem:s17+$0xD0] =	vst v10;
	v5 =	vmul.f32 v12, v5;
	v10 =	vld [tilespmem:s17+$0x140]  }
0x316: {  	v12 =	vshll.u32 v14, v1;
	v14 =	vshll.u32 v15, v1;
	[tilespmem:s17+$0xE0] =	vst v7;
	v7 =	vmul.f32 v11, v4;
	v11 =	vld [tilespmem:s17+$0x150]  }
0x317: {  	v15 =	vshll.u32 v16, v1;
	v16 =	vshll.u32 v17, v1;
	[tilespmem:s17+$0xF0] =	vst v5;
	v8 =	vmul.f32 v8, v4;
	v19 =	vld [tilespmem:s17+$0x160]  }
.Ltmp9:
0x318: {  	v18 =	vshll.u32 v18, v1;
	v21 =	vshll.u32 v13, v1;
	[tilespmem:s17+$0x100] =	vst v7;
	v7 =	vmul.f32 v20, v4;
	v5 =	vld [tilespmem:s17+$0x170];
	(pc) =	sbr.rel @p1 .LBB2_12-.Ltmp9, $4  }
0x319: {  	v12 =	vadd.s32 $0x1, v12;
	v20 =	vadd.s32 $0x2, v14;
	[tilespmem:s17+$0x110] =	vst v8;
	v22 =	vmul.f32 v9, v4;
	v8 =	vld [tilespmem:s17+$0x180]  }
0x31a: {  	v17 =	vadd.s32 $0x3, v15;
	v13 =	vadd.s32 $0x4, v16;
	[tilespmem:s17+$0x120] =	vst v7;
	v23 =	vmul.f32 v10, v4;
	v9 =	vld [tilespmem:s17+$0x190]  }
0x31b: {  	v14 =	vadd.s32 $0x5, v18;
	v7 =	vbroadcast v12, $0x0;
	[tilespmem:s17+$0x130] =	vst v22;
	v16 =	vmul.f32 v11, v4;
	v10 =	vld [tilespmem:s17+$0x1A0]  }
0x31c: {  	s19 =	sadd.s32 $0x7, s18;
	s18 =	sadd.s32 $0x8, s18;
	v15 =	vadd.s32 $0x6, v21;
	v12 =	vbroadcast v20, $0x0;
	[tilespmem:s17+$0x140] =	vst v23;
	v18 =	vmul.f32 v19, v4;
	v11 =	vld [tilespmem:s17+$0x1B0]  }
0x31d: {  	_ = 	snop  }
0x31e: {  	v20 =	vld [tilespmem:s17+$0x1C0]  }
0x31f: {  	v21 =	vld [tilespmem:s17+$0x1D0]  }
0x320: {  	v22 =	vld [tilespmem:s17+$0x1E0]  }
0x321: {  	v19 =	vmov s19;
	v23 =	vld.idx.msk [tilespmem:v6+s6+$0x0], $0xffff  }
0x322: {  	v60 =	vld.idx.msk [tilespmem:v7+s6+$0x0], $0xffff;
	v19 =	vshrl.u32 v19, $0x3  }
0x323: {  	s18 =	sadd.s32 $0x400, s17;
	v12 =	vld.idx.msk [tilespmem:v12+s6+$0x0], $0xffff;
	v19 =	vshll.u32 v19, v1  }
0x324: {  	[tilespmem:s17+$0x150] =	vst v16;
	v16 =	vld [tilespmem:s18+$0xFFFFFE00];
	v59 =	vadd.s32 $0x7, v19  }
0x325: {  	v25 =	vld [tilespmem:s18+$0xFFFFFE30];
	v24 =	vbroadcast v59, $0x0  }
0x326: {  	v4 =	vmul.f32 v5, v4;
	v26 =	vld [tilespmem:s18+$0xFFFFFE40]  }
0x327: {  	[tilespmem:s17+$0x160] =	vst v18;
	v8 =	vmul.f32 v8, v3;
	v27 =	vld [tilespmem:s18+$0xFFFFFE50]  }
0x328: {  	v28 =	vld [tilespmem:s18+$0xFFFFFE60];
	[tilespmem:s17+$0x170] =	vst v4;
	v9 =	vmul.f32 v9, v3  }
0x329: {  	v29 =	vld [tilespmem:s18+$0xFFFFFE70];
	[tilespmem:s17+$0x180] =	vst v8;
	v61 =	vmul.f32 v10, v3  }
0x32a: {  	v30 =	vld [tilespmem:s18+$0xFFFFFE80];
	[tilespmem:s17+$0x190] =	vst v9;
	v63 =	vmul.f32 v11, v3  }
0x32b: {  	[tilespmem:s17+$0x1A0] =	vst v61;
	v18 =	vmul.f32 v20, v3;
	v4 =	vld.idx.msk [tilespmem:v24+s6+$0x0], $0xffff  }
0x32c: {  	v21 =	vmul.f32 v21, v3;
	[tilespmem:s17+$0x1B0] =	vst v63;
	v24 =	vld [tilespmem:s18+$0xFFFFFE20]  }
0x32d: {  	v31 =	vld [tilespmem:s18+$0xFFFFFE90];
	v3 =	vmul.f32 v22, v3;
	[tilespmem:s17+$0x1C0] =	vst v18  }
0x32e: {  	v33 =	vld [tilespmem:s18+$0xFFFFFEA0];
	v8 =	vmul.f32 v25, v23;
	[tilespmem:s17+$0x1D0] =	vst v21  }
0x32f: {  	v34 =	vld [tilespmem:s18+$0xFFFFFEB0];
	[tilespmem:s17+$0x1E0] =	vst v3;
	v3 =	vmul.f32 v16, v23  }
0x330: {  	v36 =	vld [tilespmem:s18+$0xFFFFFEC0];
	v32 =	vmul.f32 v27, v23;
	[tilespmem:s18+$0xFFFFFE30] =	vst v8  }
0x331: {  	v37 =	vld [tilespmem:s18+$0xFFFFFED0];
	[tilespmem:s18+$0xFFFFFE00] =	vst v3;
	v3 =	vmul.f32 v24, v23  }
0x332: {  	v39 =	vld [tilespmem:s18+$0xFFFFFEE0];
	v35 =	vmul.f32 v29, v23;
	[tilespmem:s18+$0xFFFFFE50] =	vst v32  }
0x333: {  	v40 =	vld [tilespmem:s18+$0xFFFFFEF0];
	[tilespmem:s18+$0xFFFFFE20] =	vst v3;
	v3 =	vmul.f32 v26, v23  }
0x334: {  	v42 =	vld [tilespmem:s18+$0xFFFFFF00];
	v38 =	vmul.f32 v31, v60;
	[tilespmem:s18+$0xFFFFFE70] =	vst v35  }
0x335: {  	v43 =	vld [tilespmem:s18+$0xFFFFFF10];
	[tilespmem:s18+$0xFFFFFE40] =	vst v3;
	v3 =	vmul.f32 v28, v23  }
0x336: {  	v45 =	vld [tilespmem:s18+$0xFFFFFF20];
	v41 =	vmul.f32 v34, v60;
	[tilespmem:s18+$0xFFFFFE90] =	vst v38  }
0x337: {  	v46 =	vld [tilespmem:s18+$0xFFFFFF30];
	[tilespmem:s18+$0xFFFFFE60] =	vst v3;
	v3 =	vmul.f32 v30, v60  }
0x338: {  	v48 =	vld [tilespmem:s18+$0xFFFFFF40];
	v44 =	vmul.f32 v37, v60;
	[tilespmem:s18+$0xFFFFFEB0] =	vst v41  }
0x339: {  	v49 =	vld [tilespmem:s18+$0xFFFFFF50];
	[tilespmem:s18+$0xFFFFFE80] =	vst v3;
	v3 =	vmul.f32 v33, v60  }
0x33a: {  	v51 =	vld [tilespmem:s18+$0xFFFFFF60];
	v47 =	vmul.f32 v40, v60;
	[tilespmem:s18+$0xFFFFFED0] =	vst v44  }
0x33b: {  	v17 =	vbroadcast v17, $0x0;
	v52 =	vld [tilespmem:s18+$0xFFFFFF70];
	[tilespmem:s18+$0xFFFFFEA0] =	vst v3;
	v3 =	vmul.f32 v36, v60  }
0x33c: {  	v13 =	vbroadcast v13, $0x0;
	v54 =	vld [tilespmem:s18+$0xFFFFFF80];
	v50 =	vmul.f32 v43, v12;
	[tilespmem:s18+$0xFFFFFEF0] =	vst v47  }
0x33d: {  	v14 =	vbroadcast v14, $0x0;
	v57 =	vld [tilespmem:s18+$0xFFFFFFA0];
	[tilespmem:s18+$0xFFFFFEC0] =	vst v3;
	v3 =	vmul.f32 v39, v60  }
0x33e: {  	v15 =	vbroadcast v15, $0x0;
	v58 =	vld [tilespmem:s18+$0xFFFFFFB0];
	v53 =	vmul.f32 v46, v12;
	[tilespmem:s18+$0xFFFFFF10] =	vst v50  }
0x33f: {  	v20 =	vld [tilespmem:s18+$0xFFFFFE10];
	[tilespmem:s18+$0xFFFFFEE0] =	vst v3;
	v3 =	vmul.f32 v42, v12  }
0x340: {  	v61 =	vld [tilespmem:s18+$0xFFFFFFD0];
	v56 =	vmul.f32 v49, v12;
	[tilespmem:s18+$0xFFFFFF30] =	vst v53  }
0x341: {  	v17 =	vld.idx.msk [tilespmem:v17+s6+$0x0], $0xffff;
	[tilespmem:s18+$0xFFFFFF00] =	vst v3;
	v3 =	vmul.f32 v45, v12  }
0x342: {  	v7 =	vld.idx.msk [tilespmem:v13+s6+$0x0], $0xffff;
	v59 =	vmul.f32 v52, v12;
	[tilespmem:s18+$0xFFFFFF50] =	vst v56  }
0x343: {  	v6 =	vld.idx.msk [tilespmem:v14+s6+$0x0], $0xffff;
	[tilespmem:s18+$0xFFFFFF20] =	vst v3;
	v3 =	vmul.f32 v48, v12  }
0x344: {  	v5 =	vld.idx.msk [tilespmem:v15+s6+$0x0], $0xffff;
	[tilespmem:s18+$0xFFFFFF70] =	vst v59;
	v13 =	vmul.f32 v20, v23  }
0x345: {  	v37 =	vld [tilespmem:s18+$0xD0];
	[tilespmem:s18+$0xFFFFFF40] =	vst v3;
	v3 =	vmul.f32 v51, v12  }
0x346: {  	v18 =	vmul.f32 v58, v17;
	[tilespmem:s18+$0xFFFFFE10] =	vst v13;
	v60 =	vld [tilespmem:s18+$0xFFFFFFC0]  }
0x347: {  	v43 =	vld [tilespmem:s18+$0x110];
	[tilespmem:s18+$0xFFFFFF60] =	vst v3;
	v3 =	vmul.f32 v54, v17  }
0x348: {  	v63 =	vld [tilespmem:s18+$0xFFFFFFE0];
	v21 =	vmul.f32 v61, v17;
	[tilespmem:s18+$0xFFFFFFB0] =	vst v18  }
0x349: {  	v46 =	vld [tilespmem:s18+$0x130];
	[tilespmem:s18+$0xFFFFFF80] =	vst v3;
	v3 =	vmul.f32 v57, v17  }
0x34a: {  	v19 =	vld [tilespmem:s18+$0x0];
	v44 =	vmul.f32 v37, v6;
	[tilespmem:s18+$0xFFFFFFD0] =	vst v21  }
0x34b: {  	v32 =	vld [tilespmem:s18+$0x90];
	[tilespmem:s18+$0xFFFFFFA0] =	vst v3;
	v3 =	vmul.f32 v60, v17  }
0x34c: {  	v22 =	vld [tilespmem:s18+$0x20];
	v49 =	vmul.f32 v43, v5;
	[tilespmem:s18+$0xD0] =	vst v44  }
0x34d: {  	v35 =	vld [tilespmem:s18+$0xB0];
	[tilespmem:s18+$0xFFFFFFC0] =	vst v3;
	v3 =	vmul.f32 v63, v17  }
0x34e: {  	v25 =	vld [tilespmem:s18+$0x40];
	v52 =	vmul.f32 v46, v5;
	[tilespmem:s18+$0x110] =	vst v49  }
0x34f: {  	v62 =	vld [tilespmem:s18+$0x1F0];
	[tilespmem:s18+$0xFFFFFFE0] =	vst v3;
	v3 =	vmul.f32 v19, v7  }
0x350: {  	v38 =	vmul.f32 v32, v6;
	[tilespmem:s18+$0x130] =	vst v52;
	v28 =	vld [tilespmem:s18+$0x60]  }
0x351: {  	v55 =	vld [tilespmem:s18+$0xFFFFFF90];
	[tilespmem:s18+$0x0] =	vst v3;
	v3 =	vmul.f32 v22, v7  }
0x352: {  	v31 =	vld [tilespmem:s18+$0x80];
	v41 =	vmul.f32 v35, v6;
	[tilespmem:s18+$0x90] =	vst v38  }
0x353: {  	v16 =	vld [tilespmem:s18+$0xFFFFFFF0];
	[tilespmem:s18+$0x20] =	vst v3;
	v3 =	vmul.f32 v25, v7  }
0x354: {  	v34 =	vld [tilespmem:s18+$0xA0];
	v10 =	vmul.f32 v62, v4;
	[tilespmem:s18+$0xB0] =	vst v41  }
0x355: {  	v20 =	vld [tilespmem:s18+$0x10];
	[tilespmem:s18+$0x40] =	vst v3;
	v3 =	vmul.f32 v28, v7  }
0x356: {  	v62 =	vmul.f32 v55, v17;
	[tilespmem:s18+$0x1F0] =	vst v10;
	v36 =	vld [tilespmem:s18+$0xC0]  }
0x357: {  	v26 =	vld [tilespmem:s18+$0x50];
	[tilespmem:s18+$0x60] =	vst v3;
	v3 =	vmul.f32 v31, v6  }
0x358: {  	v24 =	vmul.f32 v16, v17;
	[tilespmem:s18+$0xFFFFFF90] =	vst v62;
	v39 =	vld [tilespmem:s18+$0xE0]  }
0x359: {  	v23 =	vld [tilespmem:s18+$0x30];
	[tilespmem:s18+$0x80] =	vst v3;
	v3 =	vmul.f32 v34, v6  }
0x35a: {  	v27 =	vmul.f32 v20, v7;
	[tilespmem:s18+$0xFFFFFFF0] =	vst v24;
	v42 =	vld [tilespmem:s18+$0x100]  }
0x35b: {  	v48 =	vld [tilespmem:s18+$0x150];
	[tilespmem:s18+$0xA0] =	vst v3;
	v3 =	vmul.f32 v36, v6  }
0x35c: {  	[tilespmem:s18+$0x10] =	vst v27;
	v33 =	vmul.f32 v26, v7;
	v45 =	vld [tilespmem:s18+$0x120]  }
0x35d: {  	v54 =	vld [tilespmem:s18+$0x190];
	[tilespmem:s18+$0xC0] =	vst v3;
	v3 =	vmul.f32 v39, v6  }
0x35e: {  	v47 =	vld [tilespmem:s18+$0x140];
	v30 =	vmul.f32 v23, v7;
	[tilespmem:s18+$0x50] =	vst v33  }
0x35f: {  	v59 =	vld [tilespmem:s18+$0x1D0];
	[tilespmem:s18+$0xE0] =	vst v3;
	v3 =	vmul.f32 v42, v5  }
0x360: {  	v50 =	vld [tilespmem:s18+$0x160];
	[tilespmem:s18+$0x30] =	vst v30;
	v55 =	vmul.f32 v48, v5  }
0x361: {  	v57 =	vld [tilespmem:s18+$0x1B0];
	[tilespmem:s18+$0x100] =	vst v3;
	v3 =	vmul.f32 v45, v5  }
0x362: {  	v53 =	vld [tilespmem:s18+$0x180];
	[tilespmem:s18+$0x150] =	vst v55;
	v60 =	vmul.f32 v54, v4  }
0x363: {  	v29 =	vld [tilespmem:s18+$0x70];
	[tilespmem:s18+$0x120] =	vst v3;
	v3 =	vmul.f32 v47, v5  }
0x364: {  	v56 =	vld [tilespmem:s18+$0x1A0];
	v63 =	vmul.f32 v59, v4;
	[tilespmem:s18+$0x190] =	vst v60  }
0x365: {  	v40 =	vld [tilespmem:s18+$0xF0];
	[tilespmem:s18+$0x140] =	vst v3;
	v3 =	vmul.f32 v50, v5  }
0x366: {  	v58 =	vld [tilespmem:s18+$0x1C0];
	v62 =	vmul.f32 v57, v4;
	[tilespmem:s18+$0x1D0] =	vst v63  }
0x367: {  	v51 =	vld [tilespmem:s18+$0x170];
	[tilespmem:s18+$0x160] =	vst v3;
	v3 =	vmul.f32 v53, v4  }
0x368: {  	v61 =	vld [tilespmem:s18+$0x1E0];
	[tilespmem:s18+$0x1B0] =	vst v62;
	v7 =	vmul.f32 v29, v7  }
0x369: {  	[tilespmem:s18+$0x180] =	vst v3;
	v3 =	vmul.f32 v56, v4  }
0x36a: {  	[tilespmem:s18+$0x70] =	vst v7;
	v6 =	vmul.f32 v40, v6  }
0x36b: {  	[tilespmem:s18+$0x1A0] =	vst v3;
	v3 =	vmul.f32 v58, v4  }
0x36c: {  	[tilespmem:s18+$0xF0] =	vst v6;
	v5 =	vmul.f32 v51, v5  }
0x36d: {  	[tilespmem:s18+$0x1C0] =	vst v3;
	v3 =	vmul.f32 v61, v4  }
0x36e: {  	[tilespmem:s18+$0x170] =	vst v5  }
.Ltmp10:
0x36f: {  	[tilespmem:s18+$0x1E0] =	vst v3;
	(pc) =	sbr.rel .LBB2_14-.Ltmp10, $4  }
0x370: {  	[spmem:s2] =	stream.indirect.scatter.add.f32 [tilespmem:s12], [sflag:$0x3], $0x80, s9, s0, $0xb8;
	[tilespmem:$0x1FF40] =	vst v63  }
0x371: {  	_ =	swait.ge [sflag:s30], $0x2800  }
0x372: {  	[sflag:s30] =	ssyncset.done $0x0  }
0x373: {  	[sflag:s30] =	ssyncadd.s32 $0xFFFFD800  }
.LBB2_16:
0x374: {  	_ =	sfence.sel $0x180000  }
0x375: {  	[bflag:$0x0] =	sbarrier.arrive $0xFFFF  }
0x376: {  	_ =	strace $0x90000047  }
0x377: {  	s0 =	stileid.u32;
	[bflag:$0x2] =	sbarrier.arrive $0xFFFF  }
0x378: {  	p0 =	sne.s32 s0, $0x0;
	s0 =	rddreg [dreg:$0x3]  }
0x379: {  	s0 =	sadd.s32 @!p0 $0x100000, s0  }
0x37a: {  	[sflag:s0] =	ssyncadd.tile.s32 @!p0 $0x1;
	_ =	shalt  }
.Lfunc_end2:
_tile_overlayer_lowered:
.L_overlay_start_2:
0x37b: {  	(tag) =	ssettag $0x2  }
0x37c: {  	s0 =	rddreg [dreg:$0x0];
	s2 =	stileid.u32  }
0x37d: {  	s1 =	rddreg [dreg:$0x1];
	p0 =	sne.s32 s2, $0x0  }
0x37e: {  	s3 =	rddreg [dreg:$0x2];
	[bflag:$0x3] =	sbarrier.arrive $0xFFFF;
	s2 =	simm.s32 @!p0 $0x1C03  }
0x37f: {  	[timem:s3], [sflag:s2] =	dma.local @!p0 [hbm:s0], s1  }
0x380: {  	s0 =	simm.s32 @!p0 $0x3  }
0x381: {  	_ =	swait.ge @!p0 [sflag:s0], s1  }
0x382: {  	s1 =	ssub.s32 @!p0 $0x0, s1;
	[sflag:s0] =	ssyncset.done @!p0 $0x0  }
0x383: {  	[sflag:s0] =	ssyncadd.s32 @!p0 s1  }
0x384: {  	[bflag:$0x3] =	sbarrier.arrive $0xFFFF  }
0x385: {  	_ =	shalt  }

</sc_bundles>
